<compile_context>
chip_gen: v7x
topology: tpu7x:2x2x1
jax: 0.10.2.dev20260603
libtpu: 0.0.44.dev20260713+nightly
codegen_flags: <defaults>
</compile_context>

<pallas_src>
import dataclasses

import jax
import jax.numpy as jnp
from jax.experimental import pallas as pl
from jax.experimental.pallas import tpu as pltpu
from jax.experimental.pallas import tpu_sc as plsc

HIDDEN = 2048
EXPERTS = 64
K = 8
ROW_BLK = 1024
SC_ROWS = 16


def _logits_kernel(hs_ref, w_ref, b_ref, out_ref):
    out_ref[...] = jax.lax.dot_general(
        hs_ref[...], w_ref[...],
        dimension_numbers=(((1,), (1,)), ((), ())),
        preferred_element_type=jnp.float32,
    ) + b_ref[...]


def _logits_call(hs, w, b):
    n = hs.shape[0]
    return pl.pallas_call(
        _logits_kernel,
        grid=(n // ROW_BLK,),
        in_specs=[
            pl.BlockSpec((ROW_BLK, HIDDEN), lambda i: (i, 0)),
            pl.BlockSpec((EXPERTS, HIDDEN), lambda i: (0, 0)),
            pl.BlockSpec((1, EXPERTS), lambda i: (0, 0)),
        ],
        out_specs=pl.BlockSpec((ROW_BLK, EXPERTS), lambda i: (i, 0)),
        out_shape=jax.ShapeDtypeStruct((n, EXPERTS), jnp.float32),
    )(hs, w, b)


def _merge(ka, va, kb, vb):
    sel = ka >= kb
    return jnp.where(sel, ka, kb), jnp.where(sel, va, vb)


def _sc_topk(logits):
    n = logits.shape[0]
    mesh = plsc.VectorSubcoreMesh(core_axis_name="core",
                                  subcore_axis_name="subcore")

    cp = pltpu.CompilerParams()
    if "needs_layout_passes" in pltpu.CompilerParams.__dataclass_fields__:
        cp = dataclasses.replace(cp, needs_layout_passes=False)

    @pl.kernel(
        out_type=[
            jax.ShapeDtypeStruct((n, 16), jnp.int32),
            jax.ShapeDtypeStruct((n, 16), jnp.float32),
        ],
        mesh=mesh,
        compiler_params=cp,
    )
    def sc_kernel(logits_hbm, idx_hbm, wgt_hbm):
        def body(in_vmem, idx_vmem, wgt_vmem):
            lane = jax.lax.iota(jnp.int32, 16)

            @pl.loop(0, SC_ROWS)
            def _(r):
                c0 = in_vmem[r, pl.ds(0, 16)]
                c1 = in_vmem[r, pl.ds(16, 16)]
                c2 = in_vmem[r, pl.ds(32, 16)]
                c3 = in_vmem[r, pl.ds(48, 16)]
                k0, v0 = plsc.sort_key_val(c0, lane)
                k1, v1 = plsc.sort_key_val(c1, lane + 16, descending=True)
                k2, v2 = plsc.sort_key_val(c2, lane + 32)
                k3, v3 = plsc.sort_key_val(c3, lane + 48, descending=True)
                m01, i01 = _merge(k0, v0, k1, v1)
                m23, i23 = _merge(k2, v2, k3, v3)
                k01, v01 = plsc.sort_key_val(m01, i01)
                k23, v23 = plsc.sort_key_val(m23, i23, descending=True)
                mt, it = _merge(k01, v01, k23, v23)
                ks, vs = plsc.sort_key_val(mt, it, descending=True)
                e = jnp.exp(ks - jnp.max(ks))
                e = jnp.where(lane < K, e, 0.0)
                w = e / jnp.sum(e)
                idx_vmem[r, :] = vs
                wgt_vmem[r, :] = w

        pltpu.emit_pipeline(
            body,
            grid=(n // SC_ROWS,),
            in_specs=[pl.BlockSpec((SC_ROWS, EXPERTS), lambda i: (i, 0))],
            out_specs=[
                pl.BlockSpec((SC_ROWS, 16), lambda i: (i, 0)),
                pl.BlockSpec((SC_ROWS, 16), lambda i: (i, 0)),
            ],
            core_axis_name=("core", "subcore"),
            dimension_semantics=(pltpu.PARALLEL,),
        )(logits_hbm, idx_hbm, wgt_hbm)

    return sc_kernel(logits)


def kernel(hidden_states, weight, bias):
    batch, seq, hidden = hidden_states.shape
    n = batch * seq
    hs = hidden_states.reshape(n, hidden)
    b = bias.reshape(1, EXPERTS)
    logits = _logits_call(hs, weight, b)
    idxp, wgtp = _sc_topk(logits)
    return (idxp[:, :K], wgtp[:, :K])

# --- scband reference (transcript-rebuilt; emitter-appended) ---
"""Pipeline reference for scband-gpt-oss-gate-76656576299581 (READ-ONLY COPY).

The authoritative reference and input builder live on the scoring server;
editing this copy changes nothing except your own understanding.
"""

import jax, jax.numpy as jnp
import numpy as np

HIDDEN_SIZE = 2048
NUM_EXPERTS = 64
TOP_K = 8
BATCH = 2
SEQ_LEN = 4096


def setup_inputs(seed: int = 0) -> dict:
    key = jax.random.key(seed)
    k1, k2, k3 = jax.random.split(key, 3)
    hidden_states = jax.random.normal(k1, (BATCH, SEQ_LEN, HIDDEN_SIZE), dtype=jnp.float32)
    # nn.Parameter(torch.empty(...)) -- initialize with small random values
    weight = jax.random.normal(k2, (NUM_EXPERTS, HIDDEN_SIZE), dtype=jnp.float32) * (1.0 / np.sqrt(HIDDEN_SIZE))
    bias = jnp.zeros((NUM_EXPERTS,), dtype=jnp.float32)
    return {"hidden_states": hidden_states, "weight": weight, "bias": bias}


def reference(hidden_states, weight, bias):
    batch_size, seq_len, hidden_size = hidden_states.shape
    hs = hidden_states.reshape(-1, hidden_size)
    # F.linear(hs, weight, bias) == hs @ weight.T + bias
    logits = hs @ weight.T + bias
    # torch.topk(logits, k, dim=-1, sorted=True) -> lax.top_k returns sorted descending
    topk_logits, topk_idx = jax.lax.top_k(logits, TOP_K)
    # softmax over selected subset in float32 (post-topk normalization)
    topk_weight = jax.nn.softmax(topk_logits.astype(jnp.float32), axis=-1)
    return (topk_idx, topk_weight)


if False:  # reference __main__ guard neutralized (emitter)
    inp = setup_inputs()
    out = reference(**inp)
    print(out[0].shape, out[1].shape)

if __name__ == "__main__":
    import jax
    _d = setup_inputs()
    print(jax.jit(kernel)(*tuple(_d.values())))

</pallas_src>

<mosaic_0001>
#map = affine_map<(d0, d1) -> (0, 0)>
module attributes {stable_mosaic.version = 14 : i64} {
  func.func @sc_kernel(%arg0: i32, %arg1: i32, %arg2: memref<8192x64xf32, #tpu.memory_space<hbm>>, %arg3: memref<8192x16xi32, #tpu.memory_space<hbm>>, %arg4: memref<8192x16xf32, #tpu.memory_space<hbm>>) attributes {dimension_semantics = [#tpu.dimension_semantics<core_parallel>, #tpu.dimension_semantics<subcore_parallel>], iteration_bounds = array<i64: 2, 16>, scalar_prefetch = 0 : i64, scratch_operands = 0 : i64, tpu.core_type = #tpu.core_type<sc_vector_subcore>, window_params = [{transform_indices = #map}, {transform_indices = #map}, {transform_indices = #map}]} {
    %mul3A = arith.constant 1 : i32
    %mul3A_0 = arith.muli %arg1, %mul3A : i32
    %add3A = arith.constant 0 : i32
    %add3A_1 = arith.addi %add3A, %mul3A_0 : i32
    %mul3A_2 = arith.constant 16 : i32
    %mul3A_3 = arith.muli %arg0, %mul3A_2 : i32
    %add3A_4 = arith.addi %add3A_1, %mul3A_3 : i32
    %mul3A_5 = arith.constant 16 : i32
    %mul3A_6 = arith.muli %add3A_4, %mul3A_5 : i32
    "tpu.region"() ({
      %run_scoped3A = memref.alloca() : memref<2x16x64xf32, #tpu.memory_space<vmem>>
      %run_scoped3A_7 = tpu.sem_alloc : memref<2x!tpu.dma_semaphore, #tpu.memory_space<semaphore_mem>>
      %run_scoped3A_8 = memref.alloca() : memref<2x16x16xi32, #tpu.memory_space<vmem>>
      %run_scoped3A_9 = tpu.sem_alloc : memref<2x!tpu.dma_semaphore, #tpu.memory_space<semaphore_mem>>
      %run_scoped3A_10 = memref.alloca() : memref<2x16x16xf32, #tpu.memory_space<vmem>>
      %run_scoped3A_11 = tpu.sem_alloc : memref<2x!tpu.dma_semaphore, #tpu.memory_space<semaphore_mem>>
      %add3A_12 = arith.constant 0 : i32
      %add3A_13 = arith.addi %add3A_12, %mul3A_6 : i32
      %select_n3A = arith.constant true
      %select_n3A_14 = arith.constant 0 : i32
      %select_n3A_15 = arith.constant -1 : i32
      %select_n3A_16 = arith.select %select_n3A, %select_n3A_15, %select_n3A_14 : i32
      %eq3A = arith.constant -1 : i32
      %eq3A_17 = arith.cmpi eq, %select_n3A_16, %eq3A : i32
      %select_n3A_18 = arith.constant 15 : i32
      %select_n3A_19 = arith.select %eq3A_17, %select_n3A_18, %select_n3A_16 : i32
      %add3A_20 = arith.addi %select_n3A_19, %mul3A_6 : i32
      %select_n3A_21 = arith.constant true
      %select_n3A_22 = arith.constant 0 : i32
      %select_n3A_23 = arith.constant 1 : i32
      %select_n3A_24 = arith.select %select_n3A_21, %select_n3A_23, %select_n3A_22 : i32
      %eq3A_25 = arith.constant 16 : i32
      %eq3A_26 = arith.cmpi eq, %select_n3A_24, %eq3A_25 : i32
      %select_n3A_27 = arith.constant 0 : i32
      %select_n3A_28 = arith.select %eq3A_26, %select_n3A_27, %select_n3A_24 : i32
      %add3A_29 = arith.addi %select_n3A_28, %mul3A_6 : i32
      %add3A_30 = arith.constant 1 : i32
      %add3A_31 = arith.addi %select_n3A_28, %add3A_30 : i32
      %select_n3A_32 = arith.constant true
      %select_n3A_33 = arith.select %select_n3A_32, %add3A_31, %select_n3A_28 : i32
      %eq3A_34 = arith.constant 16 : i32
      %eq3A_35 = arith.cmpi eq, %select_n3A_33, %eq3A_34 : i32
      %select_n3A_36 = arith.constant 0 : i32
      %select_n3A_37 = arith.select %eq3A_35, %select_n3A_36, %select_n3A_33 : i32
      %add3A_38 = arith.addi %select_n3A_37, %mul3A_6 : i32
      "tpu.trace_start"() <{level = 10 : i32, message = "ep_initialize_0"}> : () -> ()
      %rem3A = arith.constant 0 : i32
      %rem3A_39 = arith.constant 2 : i32
      %rem3A_40 = arith.remui %rem3A, %rem3A_39 : i32
      %mul3A_41 = arith.constant 16 : i32
      %mul3A_42 = arith.muli %mul3A_41, %add3A_13 : i32
      %dma_start3A = arith.constant 0 : i32
      %dma_start3A_43 = arith.constant 0 : i32
      %dma_start3A_44 = tpu.memref_slice %run_scoped3A[%rem3A_40, %dma_start3A, %dma_start3A_43] : memref<2x16x64xf32, #tpu.memory_space<vmem>> -> memref<1x16x64xf32, #tpu.memory_space<vmem>>
      %dma_start3A_45 = tpu.memref_squeeze %dma_start3A_44 : memref<1x16x64xf32, #tpu.memory_space<vmem>> -> memref<16x64xf32, #tpu.memory_space<vmem>>
      %dma_start3A_46 = arith.constant 0 : i32
      %dma_start3A_47 = tpu.memref_slice %arg2[%mul3A_42, %dma_start3A_46] : memref<8192x64xf32, #tpu.memory_space<hbm>> -> memref<16x64xf32, #tpu.memory_space<hbm>>
      %dma_start3A_48 = tpu.memref_slice %run_scoped3A_7[%rem3A_40] : memref<2x!tpu.dma_semaphore, #tpu.memory_space<semaphore_mem>> -> memref<1x!tpu.dma_semaphore, #tpu.memory_space<semaphore_mem>>
      %dma_start3A_49 = tpu.memref_squeeze %dma_start3A_48 : memref<1x!tpu.dma_semaphore, #tpu.memory_space<semaphore_mem>> -> memref<!tpu.dma_semaphore, #tpu.memory_space<semaphore_mem>>
      %dma_start3A_50 = arith.constant 0 : i32
      %dma_start3A_51 = arith.constant 0 : i32
      %dma_start3A_52 = tpu.memref_slice %run_scoped3A[%rem3A_40, %dma_start3A_50, %dma_start3A_51] : memref<2x16x64xf32, #tpu.memory_space<vmem>> -> memref<1x16x64xf32, #tpu.memory_space<vmem>>
      %dma_start3A_53 = tpu.memref_squeeze %dma_start3A_52 : memref<1x16x64xf32, #tpu.memory_space<vmem>> -> memref<16x64xf32, #tpu.memory_space<vmem>>
      %dma_start3A_54 = arith.constant 0 : i32
      %dma_start3A_55 = tpu.memref_slice %arg2[%mul3A_42, %dma_start3A_54] : memref<8192x64xf32, #tpu.memory_space<hbm>> -> memref<16x64xf32, #tpu.memory_space<hbm>>
      tpu.enqueue_dma source(%dma_start3A_55 : memref<16x64xf32, #tpu.memory_space<hbm>>) target(%dma_start3A_53 : memref<16x64xf32, #tpu.memory_space<vmem>>) target_semaphore(%dma_start3A_49 : memref<!tpu.dma_semaphore, #tpu.memory_space<semaphore_mem>>)
      %add3A_56 = arith.constant 0 : i32
      %add3A_57 = arith.constant 1 : i32
      %add3A_58 = arith.addi %add3A_56, %add3A_57 : i32
      %select_n3A_59 = arith.constant true
      %select_n3A_60 = arith.constant 0 : i32
      %select_n3A_61 = arith.select %select_n3A_59, %add3A_58, %select_n3A_60 : i32
      "tpu.trace_stop"() : () -> ()
      %scan3A = arith.constant 0 : i32
      %scan3A_62 = arith.constant 0 : i32
      %scan3A_63 = arith.constant 0 : i32
      %scan3A_64 = arith.constant 0 : i32
      %scan3A_65 = arith.constant 0 : i32
      %scan3A_66 = arith.constant 0 : i32
      %scan3A_67 = arith.constant 0 : i32
      %scan3A_68 = arith.constant 16 : i32
      %scan3A_69 = arith.addi %scan3A_67, %scan3A_68 : i32
      %scan3A_70 = arith.constant 1 : i32
      %scan3A_71:7 = scf.for %scan3A_143 = %scan3A_67 to %scan3A_69 step %scan3A_70 iter_args(%scan3A_144 = %select_n3A_61, %scan3A_145 = %scan3A, %scan3A_146 = %scan3A_62, %scan3A_147 = %scan3A_63, %scan3A_148 = %scan3A_64, %scan3A_149 = %scan3A_65, %scan3A_150 = %scan3A_66) -> (i32, i32, i32, i32, i32, i32, i32)  : i32 {
        %eq3A_151 = arith.constant 0 : i32
        %eq3A_152 = arith.cmpi eq, %scan3A_143, %eq3A_151 : i32
        %eq3A_153 = arith.constant 15 : i32
        %eq3A_154 = arith.cmpi eq, %scan3A_143, %eq3A_153 : i32
        %add3A_155 = arith.addi %scan3A_150, %mul3A_6 : i32
        %sub3A_156 = arith.constant 1 : i32
        %sub3A_157 = arith.subi %scan3A_150, %sub3A_156 : i32
        %select_n3A_158 = arith.constant true
        %select_n3A_159 = arith.select %select_n3A_158, %sub3A_157, %scan3A_150 : i32
        %eq3A_160 = arith.constant -1 : i32
        %eq3A_161 = arith.cmpi eq, %select_n3A_159, %eq3A_160 : i32
        %select_n3A_162 = arith.constant 15 : i32
        %select_n3A_163 = arith.select %eq3A_161, %select_n3A_162, %select_n3A_159 : i32
        %add3A_164 = arith.addi %select_n3A_163, %mul3A_6 : i32
        %add3A_165 = arith.constant 1 : i32
        %add3A_166 = arith.addi %scan3A_150, %add3A_165 : i32
        %select_n3A_167 = arith.constant true
        %select_n3A_168 = arith.select %select_n3A_167, %add3A_166, %scan3A_150 : i32
        %eq3A_169 = arith.constant 16 : i32
        %eq3A_170 = arith.cmpi eq, %select_n3A_168, %eq3A_169 : i32
        %select_n3A_171 = arith.constant 0 : i32
        %select_n3A_172 = arith.select %eq3A_170, %select_n3A_171, %select_n3A_168 : i32
        %add3A_173 = arith.addi %select_n3A_172, %mul3A_6 : i32
        %add3A_174 = arith.constant 1 : i32
        %add3A_175 = arith.addi %select_n3A_172, %add3A_174 : i32
        %select_n3A_176 = arith.constant true
        %select_n3A_177 = arith.select %select_n3A_176, %add3A_175, %select_n3A_172 : i32
        %eq3A_178 = arith.constant 16 : i32
        %eq3A_179 = arith.cmpi eq, %select_n3A_177, %eq3A_178 : i32
        %select_n3A_180 = arith.constant 0 : i32
        %select_n3A_181 = arith.select %eq3A_179, %select_n3A_180, %select_n3A_177 : i32
        %add3A_182 = arith.addi %select_n3A_181, %mul3A_6 : i32
        %ne3A = arith.cmpi ne, %add3A_155, %add3A_173 : i32
        %or3A = arith.constant false
        %or3A_183 = arith.ori %or3A, %ne3A : i1
        %or3A_184 = arith.constant false
        %or3A_185 = arith.ori %or3A_183, %or3A_184 : i1
        %ge3A = arith.constant 15 : i32
        %ge3A_186 = arith.cmpi sge, %scan3A_143, %ge3A : i32
        %not3A = arith.constant true
        %not3A_187 = arith.xori %ge3A_186, %not3A : i1
        %and3A = arith.andi %or3A_185, %not3A_187 : i1
        %convert_element_type3A = arith.extui %and3A : i1 to i32
        %cond3A = arith.constant 0 : i32
        %cond3A_188 = arith.cmpi ne, %convert_element_type3A, %cond3A : i32
        scf.if %cond3A_188 {
          "tpu.trace_start"() <{level = 10 : i32, message = "ep_copy_in"}> : () -> ()
          %rem3A_353 = arith.constant 2 : i32
          %rem3A_354 = arith.remui %scan3A_144, %rem3A_353 : i32
          %mul3A_355 = arith.constant 16 : i32
          %mul3A_356 = arith.muli %mul3A_355, %add3A_173 : i32
          %dma_start3A_357 = arith.constant 0 : i32
          %dma_start3A_358 = arith.constant 0 : i32
          %dma_start3A_359 = tpu.memref_slice %run_scoped3A[%rem3A_354, %dma_start3A_357, %dma_start3A_358] : memref<2x16x64xf32, #tpu.memory_space<vmem>> -> memref<1x16x64xf32, #tpu.memory_space<vmem>>
          %dma_start3A_360 = tpu.memref_squeeze %dma_start3A_359 : memref<1x16x64xf32, #tpu.memory_space<vmem>> -> memref<16x64xf32, #tpu.memory_space<vmem>>
          %dma_start3A_361 = arith.constant 0 : i32
          %dma_start3A_362 = tpu.memref_slice %arg2[%mul3A_356, %dma_start3A_361] : memref<8192x64xf32, #tpu.memory_space<hbm>> -> memref<16x64xf32, #tpu.memory_space<hbm>>
          %dma_start3A_363 = tpu.memref_slice %run_scoped3A_7[%rem3A_354] : memref<2x!tpu.dma_semaphore, #tpu.memory_space<semaphore_mem>> -> memref<1x!tpu.dma_semaphore, #tpu.memory_space<semaphore_mem>>
          %dma_start3A_364 = tpu.memref_squeeze %dma_start3A_363 : memref<1x!tpu.dma_semaphore, #tpu.memory_space<semaphore_mem>> -> memref<!tpu.dma_semaphore, #tpu.memory_space<semaphore_mem>>
          %dma_start3A_365 = arith.constant 0 : i32
          %dma_start3A_366 = arith.constant 0 : i32
          %dma_start3A_367 = tpu.memref_slice %run_scoped3A[%rem3A_354, %dma_start3A_365, %dma_start3A_366] : memref<2x16x64xf32, #tpu.memory_space<vmem>> -> memref<1x16x64xf32, #tpu.memory_space<vmem>>
          %dma_start3A_368 = tpu.memref_squeeze %dma_start3A_367 : memref<1x16x64xf32, #tpu.memory_space<vmem>> -> memref<16x64xf32, #tpu.memory_space<vmem>>
          %dma_start3A_369 = arith.constant 0 : i32
          %dma_start3A_370 = tpu.memref_slice %arg2[%mul3A_356, %dma_start3A_369] : memref<8192x64xf32, #tpu.memory_space<hbm>> -> memref<16x64xf32, #tpu.memory_space<hbm>>
          tpu.enqueue_dma source(%dma_start3A_370 : memref<16x64xf32, #tpu.memory_space<hbm>>) target(%dma_start3A_368 : memref<16x64xf32, #tpu.memory_space<vmem>>) target_semaphore(%dma_start3A_364 : memref<!tpu.dma_semaphore, #tpu.memory_space<semaphore_mem>>)
          "tpu.trace_stop"() : () -> ()
        } else {
        }
        %and3A_189 = arith.constant true
        %and3A_190 = arith.andi %and3A, %and3A_189 : i1
        %add3A_191 = arith.constant 1 : i32
        %add3A_192 = arith.addi %scan3A_144, %add3A_191 : i32
        %select_n3A_193 = arith.select %and3A_190, %add3A_192, %scan3A_144 : i32
        %ne3A_194 = arith.cmpi ne, %add3A_155, %add3A_173 : i32
        %or3A_195 = arith.constant false
        %or3A_196 = arith.ori %or3A_195, %ne3A_194 : i1
        %or3A_197 = arith.constant false
        %or3A_198 = arith.ori %or3A_196, %or3A_197 : i1
        %ge3A_199 = arith.constant 15 : i32
        %ge3A_200 = arith.cmpi sge, %scan3A_143, %ge3A_199 : i32
        %not3A_201 = arith.constant true
        %not3A_202 = arith.xori %ge3A_200, %not3A_201 : i1
        %and3A_203 = arith.andi %or3A_198, %not3A_202 : i1
        %ne3A_204 = arith.cmpi ne, %add3A_155, %add3A_173 : i32
        %or3A_205 = arith.constant false
        %or3A_206 = arith.ori %or3A_205, %ne3A_204 : i1
        %or3A_207 = arith.constant false
        %or3A_208 = arith.ori %or3A_206, %or3A_207 : i1
        %ge3A_209 = arith.constant 15 : i32
        %ge3A_210 = arith.cmpi sge, %scan3A_143, %ge3A_209 : i32
        %not3A_211 = arith.constant true
        %not3A_212 = arith.xori %ge3A_210, %not3A_211 : i1
        %and3A_213 = arith.andi %or3A_208, %not3A_212 : i1
        %ne3A_214 = arith.cmpi ne, %add3A_155, %add3A_164 : i32
        %or3A_215 = arith.constant false
        %or3A_216 = arith.ori %or3A_215, %ne3A_214 : i1
        %or3A_217 = arith.constant false
        %or3A_218 = arith.ori %or3A_216, %or3A_217 : i1
        %or3A_219 = arith.ori %or3A_218, %eq3A_152 : i1
        %convert_element_type3A_220 = arith.extui %or3A_219 : i1 to i32
        %cond3A_221 = arith.constant 0 : i32
        %cond3A_222 = arith.cmpi ne, %convert_element_type3A_220, %cond3A_221 : i32
        scf.if %cond3A_222 {
          "tpu.trace_start"() <{level = 10 : i32, message = "ep_wait_in"}> : () -> ()
          %mul3A_353 = arith.constant 16 : i32
          %mul3A_354 = arith.muli %mul3A_353, %add3A_155 : i32
          %rem3A_355 = arith.constant 2 : i32
          %rem3A_356 = arith.remui %scan3A_145, %rem3A_355 : i32
          %dma_wait3A_357 = arith.constant 0 : i32
          %dma_wait3A_358 = arith.constant 0 : i32
          %dma_wait3A_359 = tpu.memref_slice %run_scoped3A[%rem3A_356, %dma_wait3A_357, %dma_wait3A_358] : memref<2x16x64xf32, #tpu.memory_space<vmem>> -> memref<1x16x64xf32, #tpu.memory_space<vmem>>
          %dma_wait3A_360 = tpu.memref_squeeze %dma_wait3A_359 : memref<1x16x64xf32, #tpu.memory_space<vmem>> -> memref<16x64xf32, #tpu.memory_space<vmem>>
          %dma_wait3A_361 = arith.constant 0 : i32
          %dma_wait3A_362 = tpu.memref_slice %arg2[%mul3A_354, %dma_wait3A_361] : memref<8192x64xf32, #tpu.memory_space<hbm>> -> memref<16x64xf32, #tpu.memory_space<hbm>>
          %dma_wait3A_363 = tpu.memref_slice %run_scoped3A_7[%rem3A_356] : memref<2x!tpu.dma_semaphore, #tpu.memory_space<semaphore_mem>> -> memref<1x!tpu.dma_semaphore, #tpu.memory_space<semaphore_mem>>
          %dma_wait3A_364 = tpu.memref_squeeze %dma_wait3A_363 : memref<1x!tpu.dma_semaphore, #tpu.memory_space<semaphore_mem>> -> memref<!tpu.dma_semaphore, #tpu.memory_space<semaphore_mem>>
          %dma_wait3A_365 = arith.constant 0 : i32
          %dma_wait3A_366 = arith.constant 0 : i32
          %dma_wait3A_367 = tpu.memref_slice %run_scoped3A[%rem3A_356, %dma_wait3A_365, %dma_wait3A_366] : memref<2x16x64xf32, #tpu.memory_space<vmem>> -> memref<1x16x64xf32, #tpu.memory_space<vmem>>
          %dma_wait3A_368 = tpu.memref_squeeze %dma_wait3A_367 : memref<1x16x64xf32, #tpu.memory_space<vmem>> -> memref<16x64xf32, #tpu.memory_space<vmem>>
          %dma_wait3A_369 = arith.constant 0 : i32
          %dma_wait3A_370 = tpu.memref_slice %arg2[%mul3A_354, %dma_wait3A_369] : memref<8192x64xf32, #tpu.memory_space<hbm>> -> memref<16x64xf32, #tpu.memory_space<hbm>>
          tpu.wait_dma2 semaphore(%dma_wait3A_364 : memref<!tpu.dma_semaphore, #tpu.memory_space<semaphore_mem>>) src(%dma_wait3A_370 : memref<16x64xf32, #tpu.memory_space<hbm>>) dst(%dma_wait3A_368 : memref<16x64xf32, #tpu.memory_space<vmem>>)
          "tpu.trace_stop"() : () -> ()
        } else {
        }
        %ne3A_223 = arith.cmpi ne, %add3A_155, %add3A_164 : i32
        %or3A_224 = arith.constant false
        %or3A_225 = arith.ori %or3A_224, %ne3A_223 : i1
        %or3A_226 = arith.constant false
        %or3A_227 = arith.ori %or3A_225, %or3A_226 : i1
        %or3A_228 = arith.ori %or3A_227, %eq3A_152 : i1
        %convert_element_type3A_229 = arith.extui %or3A_228 : i1 to i32
        %cond3A_230 = arith.constant 0 : i32
        %cond3A_231 = arith.cmpi ne, %convert_element_type3A_229, %cond3A_230 : i32
        scf.if %cond3A_231 {
        } else {
        }
        %ne3A_232 = arith.cmpi ne, %add3A_155, %add3A_164 : i32
        %or3A_233 = arith.constant false
        %or3A_234 = arith.ori %or3A_233, %ne3A_232 : i1
        %or3A_235 = arith.constant false
        %or3A_236 = arith.ori %or3A_234, %or3A_235 : i1
        %or3A_237 = arith.ori %or3A_236, %eq3A_152 : i1
        %convert_element_type3A_238 = arith.extui %or3A_237 : i1 to i32
        %cond3A_239 = arith.constant 0 : i32
        %cond3A_240 = arith.cmpi ne, %convert_element_type3A_238, %cond3A_239 : i32
        scf.if %cond3A_240 {
        } else {
        }
        %rem3A_241 = arith.constant 2 : i32
        %rem3A_242 = arith.remui %scan3A_145, %rem3A_241 : i32
        %rem3A_243 = arith.constant 2 : i32
        %rem3A_244 = arith.remui %scan3A_146, %rem3A_243 : i32
        %rem3A_245 = arith.constant 2 : i32
        %rem3A_246 = arith.remui %scan3A_148, %rem3A_245 : i32
        "tpu.trace_start"() <{level = 10 : i32, message = "ep_run_kernel"}> : () -> ()
        %iota3A = tpu.iota {dimensions = array<i32: 0>} : vector<16xi32>
        %scan3A_247 = arith.constant 0 : i32
        %scan3A_248 = arith.constant 16 : i32
        %scan3A_249 = arith.addi %scan3A_247, %scan3A_248 : i32
        %scan3A_250 = arith.constant 1 : i32
        scf.for %scan3A_353 = %scan3A_247 to %scan3A_249 step %scan3A_250  : i32 {
          %mul3A_354 = arith.constant 1 : i32
          %mul3A_355 = arith.muli %scan3A_353, %mul3A_354 : i32
          %add3A_356 = arith.constant 0 : i32
          %add3A_357 = arith.addi %add3A_356, %mul3A_355 : i32
          %get3A = arith.constant 0 : i32
          %get3A_358 = arith.constant 0 : i32
          %get3A_359 = tpu.memref_slice %run_scoped3A[%rem3A_242, %get3A, %get3A_358] : memref<2x16x64xf32, #tpu.memory_space<vmem>> -> memref<1x16x64xf32, #tpu.memory_space<vmem>>
          %get3A_360 = tpu.memref_squeeze %get3A_359 : memref<1x16x64xf32, #tpu.memory_space<vmem>> -> memref<16x64xf32, #tpu.memory_space<vmem>>
          %get3A_361 = arith.index_cast %add3A_357 : i32 to index
          %get3A_362 = arith.constant 0 : index
          %get3A_363 = tpu.vector_load %get3A_360[%get3A_361, %get3A_362] {strides = array<i32>} : memref<16x64xf32, #tpu.memory_space<vmem>>, vector<16xf32>,
          %get3A_364 = arith.constant 0 : i32
          %get3A_365 = arith.constant 0 : i32
          %get3A_366 = tpu.memref_slice %run_scoped3A[%rem3A_242, %get3A_364, %get3A_365] : memref<2x16x64xf32, #tpu.memory_space<vmem>> -> memref<1x16x64xf32, #tpu.memory_space<vmem>>
          %get3A_367 = tpu.memref_squeeze %get3A_366 : memref<1x16x64xf32, #tpu.memory_space<vmem>> -> memref<16x64xf32, #tpu.memory_space<vmem>>
          %get3A_368 = arith.index_cast %add3A_357 : i32 to index
          %get3A_369 = arith.constant 16 : index
          %get3A_370 = tpu.vector_load %get3A_367[%get3A_368, %get3A_369] {strides = array<i32>} : memref<16x64xf32, #tpu.memory_space<vmem>>, vector<16xf32>,
          %get3A_371 = arith.constant 0 : i32
          %get3A_372 = arith.constant 0 : i32
          %get3A_373 = tpu.memref_slice %run_scoped3A[%rem3A_242, %get3A_371, %get3A_372] : memref<2x16x64xf32, #tpu.memory_space<vmem>> -> memref<1x16x64xf32, #tpu.memory_space<vmem>>
          %get3A_374 = tpu.memref_squeeze %get3A_373 : memref<1x16x64xf32, #tpu.memory_space<vmem>> -> memref<16x64xf32, #tpu.memory_space<vmem>>
          %get3A_375 = arith.index_cast %add3A_357 : i32 to index
          %get3A_376 = arith.constant 32 : index
          %get3A_377 = tpu.vector_load %get3A_374[%get3A_375, %get3A_376] {strides = array<i32>} : memref<16x64xf32, #tpu.memory_space<vmem>>, vector<16xf32>,
          %get3A_378 = arith.constant 0 : i32
          %get3A_379 = arith.constant 0 : i32
          %get3A_380 = tpu.memref_slice %run_scoped3A[%rem3A_242, %get3A_378, %get3A_379] : memref<2x16x64xf32, #tpu.memory_space<vmem>> -> memref<1x16x64xf32, #tpu.memory_space<vmem>>
          %get3A_381 = tpu.memref_squeeze %get3A_380 : memref<1x16x64xf32, #tpu.memory_space<vmem>> -> memref<16x64xf32, #tpu.memory_space<vmem>>
          %get3A_382 = arith.index_cast %add3A_357 : i32 to index
          %get3A_383 = arith.constant 48 : index
          %get3A_384 = tpu.vector_load %get3A_381[%get3A_382, %get3A_383] {strides = array<i32>} : memref<16x64xf32, #tpu.memory_space<vmem>>, vector<16xf32>,
          %masked_sort3A = arith.constant dense<true> : vector<16xi1>
          %masked_sort3A_385, %masked_sort3A_386, %masked_sort3A_387 = tpu.sort %get3A_363, %iota3A masked %masked_sort3A : (vector<16xf32>, vector<16xi32>, vector<16xi1>) -> (vector<16xi1>, vector<16xf32>, vector<16xi32>)
          %add3A_388 = arith.constant 16 : i32
          %add3A_389 = vector.broadcast %add3A_388 : i32 to vector<16xi32>
          %add3A_390 = arith.addi %iota3A, %add3A_389 : vector<16xi32>
          %masked_sort3A_391 = arith.constant dense<true> : vector<16xi1>
          %masked_sort3A_392, %masked_sort3A_393, %masked_sort3A_394 = tpu.sort %get3A_370, %add3A_390 masked %masked_sort3A_391 {descending = true} : (vector<16xf32>, vector<16xi32>, vector<16xi1>) -> (vector<16xi1>, vector<16xf32>, vector<16xi32>)
          %add3A_395 = arith.constant 32 : i32
          %add3A_396 = vector.broadcast %add3A_395 : i32 to vector<16xi32>
          %add3A_397 = arith.addi %iota3A, %add3A_396 : vector<16xi32>
          %masked_sort3A_398 = arith.constant dense<true> : vector<16xi1>
          %masked_sort3A_399, %masked_sort3A_400, %masked_sort3A_401 = tpu.sort %get3A_377, %add3A_397 masked %masked_sort3A_398 : (vector<16xf32>, vector<16xi32>, vector<16xi1>) -> (vector<16xi1>, vector<16xf32>, vector<16xi32>)
          %add3A_402 = arith.constant 48 : i32
          %add3A_403 = vector.broadcast %add3A_402 : i32 to vector<16xi32>
          %add3A_404 = arith.addi %iota3A, %add3A_403 : vector<16xi32>
          %masked_sort3A_405 = arith.constant dense<true> : vector<16xi1>
          %masked_sort3A_406, %masked_sort3A_407, %masked_sort3A_408 = tpu.sort %get3A_384, %add3A_404 masked %masked_sort3A_405 {descending = true} : (vector<16xf32>, vector<16xi32>, vector<16xi1>) -> (vector<16xi1>, vector<16xf32>, vector<16xi32>)
          %ge3A_409 = arith.cmpf oge, %masked_sort3A_386, %masked_sort3A_393 : vector<16xf32>
          %select_n3A_410 = arith.select %ge3A_409, %masked_sort3A_386, %masked_sort3A_393 : vector<16xi1>, vector<16xf32>
          %select_n3A_411 = arith.select %ge3A_409, %masked_sort3A_387, %masked_sort3A_394 : vector<16xi1>, vector<16xi32>
          %ge3A_412 = arith.cmpf oge, %masked_sort3A_400, %masked_sort3A_407 : vector<16xf32>
          %select_n3A_413 = arith.select %ge3A_412, %masked_sort3A_400, %masked_sort3A_407 : vector<16xi1>, vector<16xf32>
          %select_n3A_414 = arith.select %ge3A_412, %masked_sort3A_401, %masked_sort3A_408 : vector<16xi1>, vector<16xi32>
          %masked_sort3A_415 = arith.constant dense<true> : vector<16xi1>
          %masked_sort3A_416, %masked_sort3A_417, %masked_sort3A_418 = tpu.sort %select_n3A_410, %select_n3A_411 masked %masked_sort3A_415 : (vector<16xf32>, vector<16xi32>, vector<16xi1>) -> (vector<16xi1>, vector<16xf32>, vector<16xi32>)
          %masked_sort3A_419 = arith.constant dense<true> : vector<16xi1>
          %masked_sort3A_420, %masked_sort3A_421, %masked_sort3A_422 = tpu.sort %select_n3A_413, %select_n3A_414 masked %masked_sort3A_419 {descending = true} : (vector<16xf32>, vector<16xi32>, vector<16xi1>) -> (vector<16xi1>, vector<16xf32>, vector<16xi32>)
          %ge3A_423 = arith.cmpf oge, %masked_sort3A_417, %masked_sort3A_421 : vector<16xf32>
          %select_n3A_424 = arith.select %ge3A_423, %masked_sort3A_417, %masked_sort3A_421 : vector<16xi1>, vector<16xf32>
          %select_n3A_425 = arith.select %ge3A_423, %masked_sort3A_418, %masked_sort3A_422 : vector<16xi1>, vector<16xi32>
          %masked_sort3A_426 = arith.constant dense<true> : vector<16xi1>
          %masked_sort3A_427, %masked_sort3A_428, %masked_sort3A_429 = tpu.sort %select_n3A_424, %select_n3A_425 masked %masked_sort3A_426 {descending = true} : (vector<16xf32>, vector<16xi32>, vector<16xi1>) -> (vector<16xi1>, vector<16xf32>, vector<16xi32>)
          %reduce_max3A = arith.constant true
          %reduce_max3A_430 = vector.broadcast %reduce_max3A : i1 to vector<16xi1>
          %reduce_max3A_431 = tpu.scan <max>, %masked_sort3A_428 masked %reduce_max3A_430 : vector<16xf32>, vector<16xi1> -> vector<16xf32>
          %reduce_max3A_432 = vector.extract %reduce_max3A_431[15] : f32 from vector<16xf32>
          %sub3A_433 = vector.broadcast %reduce_max3A_432 : f32 to vector<16xf32>
          %sub3A_434 = arith.subf %masked_sort3A_428, %sub3A_433 : vector<16xf32>
          %exp3A = math.exp %sub3A_434 : vector<16xf32>
          %lt3A = arith.constant 8 : i32
          %lt3A_435 = vector.broadcast %lt3A : i32 to vector<16xi32>
          %lt3A_436 = arith.cmpi slt, %iota3A, %lt3A_435 : vector<16xi32>
          %jit3A = arith.constant 0.000000e+00 : f32
          %broadcast_in_dim3A = vector.broadcast %jit3A : f32 to vector<16xf32>
          %select_n3A_437 = arith.select %lt3A_436, %exp3A, %broadcast_in_dim3A : vector<16xi1>, vector<16xf32>
          %reduce_sum3A = arith.constant true
          %reduce_sum3A_438 = vector.broadcast %reduce_sum3A : i1 to vector<16xi1>
          %reduce_sum3A_439 = tpu.scan <sum>, %select_n3A_437 masked %reduce_sum3A_438 : vector<16xf32>, vector<16xi1> -> vector<16xf32>
          %reduce_sum3A_440 = vector.extract %reduce_sum3A_439[15] : f32 from vector<16xf32>
          %div3A = vector.broadcast %reduce_sum3A_440 : f32 to vector<16xf32>
          %div3A_441 = arith.divf %select_n3A_437, %div3A : vector<16xf32>
          %swap3A = arith.constant 0 : i32
          %swap3A_442 = arith.constant 0 : i32
          %swap3A_443 = tpu.memref_slice %run_scoped3A_8[%rem3A_244, %swap3A, %swap3A_442] : memref<2x16x16xi32, #tpu.memory_space<vmem>> -> memref<1x16x16xi32, #tpu.memory_space<vmem>>
          %swap3A_444 = tpu.memref_squeeze %swap3A_443 : memref<1x16x16xi32, #tpu.memory_space<vmem>> -> memref<16x16xi32, #tpu.memory_space<vmem>>
          %swap3A_445 = arith.index_cast %add3A_357 : i32 to index
          %swap3A_446 = arith.constant 0 : index
          %swap3A_447 = tpu.vector_load %swap3A_444[%swap3A_445, %swap3A_446] {strides = array<i32>} : memref<16x16xi32, #tpu.memory_space<vmem>>, vector<16xi32>,
          tpu.vector_store %swap3A_444[%swap3A_445, %swap3A_446], %masked_sort3A_429 {strides = array<i32>} : memref<16x16xi32, #tpu.memory_space<vmem>>, vector<16xi32>,
          %swap3A_448 = arith.constant 0 : i32
          %swap3A_449 = arith.constant 0 : i32
          %swap3A_450 = tpu.memref_slice %run_scoped3A_10[%rem3A_246, %swap3A_448, %swap3A_449] : memref<2x16x16xf32, #tpu.memory_space<vmem>> -> memref<1x16x16xf32, #tpu.memory_space<vmem>>
          %swap3A_451 = tpu.memref_squeeze %swap3A_450 : memref<1x16x16xf32, #tpu.memory_space<vmem>> -> memref<16x16xf32, #tpu.memory_space<vmem>>
          %swap3A_452 = arith.index_cast %add3A_357 : i32 to index
          %swap3A_453 = arith.constant 0 : index
          %swap3A_454 = tpu.vector_load %swap3A_451[%swap3A_452, %swap3A_453] {strides = array<i32>} : memref<16x16xf32, #tpu.memory_space<vmem>>, vector<16xf32>,
          tpu.vector_store %swap3A_451[%swap3A_452, %swap3A_453], %div3A_441 {strides = array<i32>} : memref<16x16xf32, #tpu.memory_space<vmem>>, vector<16xf32>,
        }
        %scan3A_251 = arith.constant 16 : i32
        "tpu.trace_stop"() : () -> ()
        %ne3A_252 = arith.cmpi ne, %add3A_155, %add3A_173 : i32
        %or3A_253 = arith.constant false
        %or3A_254 = arith.ori %or3A_253, %ne3A_252 : i1
        %or3A_255 = arith.constant false
        %or3A_256 = arith.ori %or3A_254, %or3A_255 : i1
        %or3A_257 = arith.ori %or3A_256, %eq3A_154 : i1
        %convert_element_type3A_258 = arith.extui %or3A_257 : i1 to i32
        %cond3A_259 = arith.constant 0 : i32
        %cond3A_260 = arith.cmpi ne, %convert_element_type3A_258, %cond3A_259 : i32
        scf.if %cond3A_260 {
        } else {
        }
        %and3A_261 = arith.constant false
        %and3A_262 = arith.andi %or3A_257, %and3A_261 : i1
        %ne3A_263 = arith.cmpi ne, %add3A_155, %add3A_173 : i32
        %or3A_264 = arith.constant false
        %or3A_265 = arith.ori %or3A_264, %ne3A_263 : i1
        %or3A_266 = arith.constant false
        %or3A_267 = arith.ori %or3A_265, %or3A_266 : i1
        %or3A_268 = arith.ori %or3A_267, %eq3A_154 : i1
        %convert_element_type3A_269 = arith.extui %or3A_268 : i1 to i32
        %cond3A_270 = arith.constant 0 : i32
        %cond3A_271 = arith.cmpi ne, %convert_element_type3A_269, %cond3A_270 : i32
        scf.if %cond3A_271 {
          "tpu.trace_start"() <{level = 10 : i32, message = "ep_copy_out"}> : () -> ()
          %rem3A_353 = arith.constant 2 : i32
          %rem3A_354 = arith.remui %scan3A_146, %rem3A_353 : i32
          %mul3A_355 = arith.constant 16 : i32
          %mul3A_356 = arith.muli %mul3A_355, %add3A_155 : i32
          %dma_start3A_357 = arith.constant 0 : i32
          %dma_start3A_358 = arith.constant 0 : i32
          %dma_start3A_359 = tpu.memref_slice %run_scoped3A_8[%rem3A_354, %dma_start3A_357, %dma_start3A_358] : memref<2x16x16xi32, #tpu.memory_space<vmem>> -> memref<1x16x16xi32, #tpu.memory_space<vmem>>
          %dma_start3A_360 = tpu.memref_squeeze %dma_start3A_359 : memref<1x16x16xi32, #tpu.memory_space<vmem>> -> memref<16x16xi32, #tpu.memory_space<vmem>>
          %dma_start3A_361 = arith.constant 0 : i32
          %dma_start3A_362 = tpu.memref_slice %arg3[%mul3A_356, %dma_start3A_361] : memref<8192x16xi32, #tpu.memory_space<hbm>> -> memref<16x16xi32, #tpu.memory_space<hbm>>
          %dma_start3A_363 = tpu.memref_slice %run_scoped3A_9[%rem3A_354] : memref<2x!tpu.dma_semaphore, #tpu.memory_space<semaphore_mem>> -> memref<1x!tpu.dma_semaphore, #tpu.memory_space<semaphore_mem>>
          %dma_start3A_364 = tpu.memref_squeeze %dma_start3A_363 : memref<1x!tpu.dma_semaphore, #tpu.memory_space<semaphore_mem>> -> memref<!tpu.dma_semaphore, #tpu.memory_space<semaphore_mem>>
          %dma_start3A_365 = arith.constant 0 : i32
          %dma_start3A_366 = tpu.memref_slice %arg3[%mul3A_356, %dma_start3A_365] : memref<8192x16xi32, #tpu.memory_space<hbm>> -> memref<16x16xi32, #tpu.memory_space<hbm>>
          %dma_start3A_367 = arith.constant 0 : i32
          %dma_start3A_368 = arith.constant 0 : i32
          %dma_start3A_369 = tpu.memref_slice %run_scoped3A_8[%rem3A_354, %dma_start3A_367, %dma_start3A_368] : memref<2x16x16xi32, #tpu.memory_space<vmem>> -> memref<1x16x16xi32, #tpu.memory_space<vmem>>
          %dma_start3A_370 = tpu.memref_squeeze %dma_start3A_369 : memref<1x16x16xi32, #tpu.memory_space<vmem>> -> memref<16x16xi32, #tpu.memory_space<vmem>>
          tpu.enqueue_dma source(%dma_start3A_370 : memref<16x16xi32, #tpu.memory_space<vmem>>) target(%dma_start3A_366 : memref<16x16xi32, #tpu.memory_space<hbm>>) target_semaphore(%dma_start3A_364 : memref<!tpu.dma_semaphore, #tpu.memory_space<semaphore_mem>>)
          "tpu.trace_stop"() : () -> ()
        } else {
        }
        %and3A_272 = arith.constant true
        %and3A_273 = arith.andi %or3A_268, %and3A_272 : i1
        %add3A_274 = arith.constant 1 : i32
        %add3A_275 = arith.addi %scan3A_146, %add3A_274 : i32
        %select_n3A_276 = arith.select %and3A_273, %add3A_275, %scan3A_146 : i32
        %ne3A_277 = arith.cmpi ne, %add3A_155, %add3A_173 : i32
        %or3A_278 = arith.constant false
        %or3A_279 = arith.ori %or3A_278, %ne3A_277 : i1
        %or3A_280 = arith.constant false
        %or3A_281 = arith.ori %or3A_279, %or3A_280 : i1
        %or3A_282 = arith.ori %or3A_281, %eq3A_154 : i1
        %convert_element_type3A_283 = arith.extui %or3A_282 : i1 to i32
        %cond3A_284 = arith.constant 0 : i32
        %cond3A_285 = arith.cmpi ne, %convert_element_type3A_283, %cond3A_284 : i32
        scf.if %cond3A_285 {
          "tpu.trace_start"() <{level = 10 : i32, message = "ep_copy_out"}> : () -> ()
          %rem3A_353 = arith.constant 2 : i32
          %rem3A_354 = arith.remui %scan3A_148, %rem3A_353 : i32
          %mul3A_355 = arith.constant 16 : i32
          %mul3A_356 = arith.muli %mul3A_355, %add3A_155 : i32
          %dma_start3A_357 = arith.constant 0 : i32
          %dma_start3A_358 = arith.constant 0 : i32
          %dma_start3A_359 = tpu.memref_slice %run_scoped3A_10[%rem3A_354, %dma_start3A_357, %dma_start3A_358] : memref<2x16x16xf32, #tpu.memory_space<vmem>> -> memref<1x16x16xf32, #tpu.memory_space<vmem>>
          %dma_start3A_360 = tpu.memref_squeeze %dma_start3A_359 : memref<1x16x16xf32, #tpu.memory_space<vmem>> -> memref<16x16xf32, #tpu.memory_space<vmem>>
          %dma_start3A_361 = arith.constant 0 : i32
          %dma_start3A_362 = tpu.memref_slice %arg4[%mul3A_356, %dma_start3A_361] : memref<8192x16xf32, #tpu.memory_space<hbm>> -> memref<16x16xf32, #tpu.memory_space<hbm>>
          %dma_start3A_363 = tpu.memref_slice %run_scoped3A_11[%rem3A_354] : memref<2x!tpu.dma_semaphore, #tpu.memory_space<semaphore_mem>> -> memref<1x!tpu.dma_semaphore, #tpu.memory_space<semaphore_mem>>
          %dma_start3A_364 = tpu.memref_squeeze %dma_start3A_363 : memref<1x!tpu.dma_semaphore, #tpu.memory_space<semaphore_mem>> -> memref<!tpu.dma_semaphore, #tpu.memory_space<semaphore_mem>>
          %dma_start3A_365 = arith.constant 0 : i32
          %dma_start3A_366 = tpu.memref_slice %arg4[%mul3A_356, %dma_start3A_365] : memref<8192x16xf32, #tpu.memory_space<hbm>> -> memref<16x16xf32, #tpu.memory_space<hbm>>
          %dma_start3A_367 = arith.constant 0 : i32
          %dma_start3A_368 = arith.constant 0 : i32
          %dma_start3A_369 = tpu.memref_slice %run_scoped3A_10[%rem3A_354, %dma_start3A_367, %dma_start3A_368] : memref<2x16x16xf32, #tpu.memory_space<vmem>> -> memref<1x16x16xf32, #tpu.memory_space<vmem>>
          %dma_start3A_370 = tpu.memref_squeeze %dma_start3A_369 : memref<1x16x16xf32, #tpu.memory_space<vmem>> -> memref<16x16xf32, #tpu.memory_space<vmem>>
          tpu.enqueue_dma source(%dma_start3A_370 : memref<16x16xf32, #tpu.memory_space<vmem>>) target(%dma_start3A_366 : memref<16x16xf32, #tpu.memory_space<hbm>>) target_semaphore(%dma_start3A_364 : memref<!tpu.dma_semaphore, #tpu.memory_space<semaphore_mem>>)
          "tpu.trace_stop"() : () -> ()
        } else {
        }
        %and3A_286 = arith.constant true
        %and3A_287 = arith.andi %or3A_282, %and3A_286 : i1
        %add3A_288 = arith.constant 1 : i32
        %add3A_289 = arith.addi %scan3A_148, %add3A_288 : i32
        %select_n3A_290 = arith.select %and3A_287, %add3A_289, %scan3A_148 : i32
        %ne3A_291 = arith.cmpi ne, %add3A_155, %add3A_164 : i32
        %or3A_292 = arith.constant false
        %or3A_293 = arith.ori %or3A_292, %ne3A_291 : i1
        %or3A_294 = arith.constant false
        %or3A_295 = arith.ori %or3A_293, %or3A_294 : i1
        %not3A_296 = arith.constant true
        %not3A_297 = arith.xori %eq3A_152, %not3A_296 : i1
        %and3A_298 = arith.andi %or3A_295, %not3A_297 : i1
        %convert_element_type3A_299 = arith.extui %and3A_298 : i1 to i32
        %cond3A_300 = arith.constant 0 : i32
        %cond3A_301 = arith.cmpi ne, %convert_element_type3A_299, %cond3A_300 : i32
        scf.if %cond3A_301 {
        } else {
        }
        %and3A_302 = arith.constant false
        %and3A_303 = arith.andi %and3A_298, %and3A_302 : i1
        %ne3A_304 = arith.cmpi ne, %add3A_155, %add3A_164 : i32
        %or3A_305 = arith.constant false
        %or3A_306 = arith.ori %or3A_305, %ne3A_304 : i1
        %or3A_307 = arith.constant false
        %or3A_308 = arith.ori %or3A_306, %or3A_307 : i1
        %not3A_309 = arith.constant true
        %not3A_310 = arith.xori %eq3A_152, %not3A_309 : i1
        %and3A_311 = arith.andi %or3A_308, %not3A_310 : i1
        %convert_element_type3A_312 = arith.extui %and3A_311 : i1 to i32
        %cond3A_313 = arith.constant 0 : i32
        %cond3A_314 = arith.cmpi ne, %convert_element_type3A_312, %cond3A_313 : i32
        scf.if %cond3A_314 {
          "tpu.trace_start"() <{level = 10 : i32, message = "ep_wait_out"}> : () -> ()
          %rem3A_353 = arith.constant 2 : i32
          %rem3A_354 = arith.remui %scan3A_147, %rem3A_353 : i32
          %mul3A_355 = arith.constant 16 : i32
          %mul3A_356 = arith.muli %mul3A_355, %add3A_164 : i32
          %dma_wait3A_357 = arith.constant 0 : i32
          %dma_wait3A_358 = arith.constant 0 : i32
          %dma_wait3A_359 = tpu.memref_slice %run_scoped3A_8[%rem3A_354, %dma_wait3A_357, %dma_wait3A_358] : memref<2x16x16xi32, #tpu.memory_space<vmem>> -> memref<1x16x16xi32, #tpu.memory_space<vmem>>
          %dma_wait3A_360 = tpu.memref_squeeze %dma_wait3A_359 : memref<1x16x16xi32, #tpu.memory_space<vmem>> -> memref<16x16xi32, #tpu.memory_space<vmem>>
          %dma_wait3A_361 = arith.constant 0 : i32
          %dma_wait3A_362 = tpu.memref_slice %arg3[%mul3A_356, %dma_wait3A_361] : memref<8192x16xi32, #tpu.memory_space<hbm>> -> memref<16x16xi32, #tpu.memory_space<hbm>>
          %dma_wait3A_363 = tpu.memref_slice %run_scoped3A_9[%rem3A_354] : memref<2x!tpu.dma_semaphore, #tpu.memory_space<semaphore_mem>> -> memref<1x!tpu.dma_semaphore, #tpu.memory_space<semaphore_mem>>
          %dma_wait3A_364 = tpu.memref_squeeze %dma_wait3A_363 : memref<1x!tpu.dma_semaphore, #tpu.memory_space<semaphore_mem>> -> memref<!tpu.dma_semaphore, #tpu.memory_space<semaphore_mem>>
          %dma_wait3A_365 = arith.constant 0 : i32
          %dma_wait3A_366 = tpu.memref_slice %arg3[%mul3A_356, %dma_wait3A_365] : memref<8192x16xi32, #tpu.memory_space<hbm>> -> memref<16x16xi32, #tpu.memory_space<hbm>>
          %dma_wait3A_367 = arith.constant 0 : i32
          %dma_wait3A_368 = arith.constant 0 : i32
          %dma_wait3A_369 = tpu.memref_slice %run_scoped3A_8[%rem3A_354, %dma_wait3A_367, %dma_wait3A_368] : memref<2x16x16xi32, #tpu.memory_space<vmem>> -> memref<1x16x16xi32, #tpu.memory_space<vmem>>
          %dma_wait3A_370 = tpu.memref_squeeze %dma_wait3A_369 : memref<1x16x16xi32, #tpu.memory_space<vmem>> -> memref<16x16xi32, #tpu.memory_space<vmem>>
          tpu.wait_dma2 semaphore(%dma_wait3A_364 : memref<!tpu.dma_semaphore, #tpu.memory_space<semaphore_mem>>) src(%dma_wait3A_370 : memref<16x16xi32, #tpu.memory_space<vmem>>) dst(%dma_wait3A_366 : memref<16x16xi32, #tpu.memory_space<hbm>>)
          "tpu.trace_stop"() : () -> ()
        } else {
        }
        %and3A_315 = arith.constant true
        %and3A_316 = arith.andi %and3A_311, %and3A_315 : i1
        %add3A_317 = arith.constant 1 : i32
        %add3A_318 = arith.addi %scan3A_147, %add3A_317 : i32
        %select_n3A_319 = arith.select %and3A_316, %add3A_318, %scan3A_147 : i32
        %ne3A_320 = arith.cmpi ne, %add3A_155, %add3A_164 : i32
        %or3A_321 = arith.constant false
        %or3A_322 = arith.ori %or3A_321, %ne3A_320 : i1
        %or3A_323 = arith.constant false
        %or3A_324 = arith.ori %or3A_322, %or3A_323 : i1
        %not3A_325 = arith.constant true
        %not3A_326 = arith.xori %eq3A_152, %not3A_325 : i1
        %and3A_327 = arith.andi %or3A_324, %not3A_326 : i1
        %convert_element_type3A_328 = arith.extui %and3A_327 : i1 to i32
        %cond3A_329 = arith.constant 0 : i32
        %cond3A_330 = arith.cmpi ne, %convert_element_type3A_328, %cond3A_329 : i32
        scf.if %cond3A_330 {
          "tpu.trace_start"() <{level = 10 : i32, message = "ep_wait_out"}> : () -> ()
          %rem3A_353 = arith.constant 2 : i32
          %rem3A_354 = arith.remui %scan3A_149, %rem3A_353 : i32
          %mul3A_355 = arith.constant 16 : i32
          %mul3A_356 = arith.muli %mul3A_355, %add3A_164 : i32
          %dma_wait3A_357 = arith.constant 0 : i32
          %dma_wait3A_358 = arith.constant 0 : i32
          %dma_wait3A_359 = tpu.memref_slice %run_scoped3A_10[%rem3A_354, %dma_wait3A_357, %dma_wait3A_358] : memref<2x16x16xf32, #tpu.memory_space<vmem>> -> memref<1x16x16xf32, #tpu.memory_space<vmem>>
          %dma_wait3A_360 = tpu.memref_squeeze %dma_wait3A_359 : memref<1x16x16xf32, #tpu.memory_space<vmem>> -> memref<16x16xf32, #tpu.memory_space<vmem>>
          %dma_wait3A_361 = arith.constant 0 : i32
          %dma_wait3A_362 = tpu.memref_slice %arg4[%mul3A_356, %dma_wait3A_361] : memref<8192x16xf32, #tpu.memory_space<hbm>> -> memref<16x16xf32, #tpu.memory_space<hbm>>
          %dma_wait3A_363 = tpu.memref_slice %run_scoped3A_11[%rem3A_354] : memref<2x!tpu.dma_semaphore, #tpu.memory_space<semaphore_mem>> -> memref<1x!tpu.dma_semaphore, #tpu.memory_space<semaphore_mem>>
          %dma_wait3A_364 = tpu.memref_squeeze %dma_wait3A_363 : memref<1x!tpu.dma_semaphore, #tpu.memory_space<semaphore_mem>> -> memref<!tpu.dma_semaphore, #tpu.memory_space<semaphore_mem>>
          %dma_wait3A_365 = arith.constant 0 : i32
          %dma_wait3A_366 = tpu.memref_slice %arg4[%mul3A_356, %dma_wait3A_365] : memref<8192x16xf32, #tpu.memory_space<hbm>> -> memref<16x16xf32, #tpu.memory_space<hbm>>
          %dma_wait3A_367 = arith.constant 0 : i32
          %dma_wait3A_368 = arith.constant 0 : i32
          %dma_wait3A_369 = tpu.memref_slice %run_scoped3A_10[%rem3A_354, %dma_wait3A_367, %dma_wait3A_368] : memref<2x16x16xf32, #tpu.memory_space<vmem>> -> memref<1x16x16xf32, #tpu.memory_space<vmem>>
          %dma_wait3A_370 = tpu.memref_squeeze %dma_wait3A_369 : memref<1x16x16xf32, #tpu.memory_space<vmem>> -> memref<16x16xf32, #tpu.memory_space<vmem>>
          tpu.wait_dma2 semaphore(%dma_wait3A_364 : memref<!tpu.dma_semaphore, #tpu.memory_space<semaphore_mem>>) src(%dma_wait3A_370 : memref<16x16xf32, #tpu.memory_space<vmem>>) dst(%dma_wait3A_366 : memref<16x16xf32, #tpu.memory_space<hbm>>)
          "tpu.trace_stop"() : () -> ()
        } else {
        }
        %and3A_331 = arith.constant true
        %and3A_332 = arith.andi %and3A_327, %and3A_331 : i1
        %add3A_333 = arith.constant 1 : i32
        %add3A_334 = arith.addi %scan3A_149, %add3A_333 : i32
        %select_n3A_335 = arith.select %and3A_332, %add3A_334, %scan3A_149 : i32
        %ne3A_336 = arith.cmpi ne, %add3A_155, %add3A_173 : i32
        %or3A_337 = arith.constant false
        %or3A_338 = arith.ori %or3A_337, %ne3A_336 : i1
        %or3A_339 = arith.constant false
        %or3A_340 = arith.ori %or3A_338, %or3A_339 : i1
        %or3A_341 = arith.ori %or3A_340, %eq3A_154 : i1
        %add3A_342 = arith.constant 1 : i32
        %add3A_343 = arith.addi %scan3A_145, %add3A_342 : i32
        %select_n3A_344 = arith.select %or3A_341, %add3A_343, %scan3A_145 : i32
        %add3A_345 = arith.constant 1 : i32
        %add3A_346 = arith.addi %scan3A_150, %add3A_345 : i32
        %select_n3A_347 = arith.constant true
        %select_n3A_348 = arith.select %select_n3A_347, %add3A_346, %scan3A_150 : i32
        %eq3A_349 = arith.constant 16 : i32
        %eq3A_350 = arith.cmpi eq, %select_n3A_348, %eq3A_349 : i32
        %select_n3A_351 = arith.constant 0 : i32
        %select_n3A_352 = arith.select %eq3A_350, %select_n3A_351, %select_n3A_348 : i32
        scf.yield %select_n3A_193, %select_n3A_344, %select_n3A_276, %select_n3A_319, %select_n3A_290, %select_n3A_335, %select_n3A_352 : i32, i32, i32, i32, i32, i32, i32
      }
      %scan3A_72 = arith.constant 16 : i32
      %sub3A = arith.constant 1 : i32
      %sub3A_73 = arith.subi %scan3A_71#6, %sub3A : i32
      %select_n3A_74 = arith.constant true
      %select_n3A_75 = arith.select %select_n3A_74, %sub3A_73, %scan3A_71#6 : i32
      %eq3A_76 = arith.constant -1 : i32
      %eq3A_77 = arith.cmpi eq, %select_n3A_75, %eq3A_76 : i32
      %select_n3A_78 = arith.constant 15 : i32
      %select_n3A_79 = arith.select %eq3A_77, %select_n3A_78, %select_n3A_75 : i32
      %add3A_80 = arith.addi %select_n3A_79, %mul3A_6 : i32
      %sub3A_81 = arith.constant 1 : i32
      %sub3A_82 = arith.subi %select_n3A_79, %sub3A_81 : i32
      %select_n3A_83 = arith.constant true
      %select_n3A_84 = arith.select %select_n3A_83, %sub3A_82, %select_n3A_79 : i32
      %eq3A_85 = arith.constant -1 : i32
      %eq3A_86 = arith.cmpi eq, %select_n3A_84, %eq3A_85 : i32
      %select_n3A_87 = arith.constant 15 : i32
      %select_n3A_88 = arith.select %eq3A_86, %select_n3A_87, %select_n3A_84 : i32
      %add3A_89 = arith.addi %select_n3A_88, %mul3A_6 : i32
      %add3A_90 = arith.constant 1 : i32
      %add3A_91 = arith.addi %select_n3A_79, %add3A_90 : i32
      %select_n3A_92 = arith.constant true
      %select_n3A_93 = arith.select %select_n3A_92, %add3A_91, %select_n3A_79 : i32
      %eq3A_94 = arith.constant 16 : i32
      %eq3A_95 = arith.cmpi eq, %select_n3A_93, %eq3A_94 : i32
      %select_n3A_96 = arith.constant 0 : i32
      %select_n3A_97 = arith.select %eq3A_95, %select_n3A_96, %select_n3A_93 : i32
      %add3A_98 = arith.addi %select_n3A_97, %mul3A_6 : i32
      %add3A_99 = arith.constant 1 : i32
      %add3A_100 = arith.addi %select_n3A_97, %add3A_99 : i32
      %select_n3A_101 = arith.constant true
      %select_n3A_102 = arith.select %select_n3A_101, %add3A_100, %select_n3A_97 : i32
      %eq3A_103 = arith.constant 16 : i32
      %eq3A_104 = arith.cmpi eq, %select_n3A_102, %eq3A_103 : i32
      %select_n3A_105 = arith.constant 0 : i32
      %select_n3A_106 = arith.select %eq3A_104, %select_n3A_105, %select_n3A_102 : i32
      %add3A_107 = arith.addi %select_n3A_106, %mul3A_6 : i32
      "tpu.trace_start"() <{level = 10 : i32, message = "ep_finalize"}> : () -> ()
      %rem3A_108 = arith.constant 2 : i32
      %rem3A_109 = arith.remui %scan3A_71#3, %rem3A_108 : i32
      %mul3A_110 = arith.constant 16 : i32
      %mul3A_111 = arith.muli %mul3A_110, %add3A_80 : i32
      %dma_wait3A = arith.constant 0 : i32
      %dma_wait3A_112 = arith.constant 0 : i32
      %dma_wait3A_113 = tpu.memref_slice %run_scoped3A_8[%rem3A_109, %dma_wait3A, %dma_wait3A_112] : memref<2x16x16xi32, #tpu.memory_space<vmem>> -> memref<1x16x16xi32, #tpu.memory_space<vmem>>
      %dma_wait3A_114 = tpu.memref_squeeze %dma_wait3A_113 : memref<1x16x16xi32, #tpu.memory_space<vmem>> -> memref<16x16xi32, #tpu.memory_space<vmem>>
      %dma_wait3A_115 = arith.constant 0 : i32
      %dma_wait3A_116 = tpu.memref_slice %arg3[%mul3A_111, %dma_wait3A_115] : memref<8192x16xi32, #tpu.memory_space<hbm>> -> memref<16x16xi32, #tpu.memory_space<hbm>>
      %dma_wait3A_117 = tpu.memref_slice %run_scoped3A_9[%rem3A_109] : memref<2x!tpu.dma_semaphore, #tpu.memory_space<semaphore_mem>> -> memref<1x!tpu.dma_semaphore, #tpu.memory_space<semaphore_mem>>
      %dma_wait3A_118 = tpu.memref_squeeze %dma_wait3A_117 : memref<1x!tpu.dma_semaphore, #tpu.memory_space<semaphore_mem>> -> memref<!tpu.dma_semaphore, #tpu.memory_space<semaphore_mem>>
      %dma_wait3A_119 = arith.constant 0 : i32
      %dma_wait3A_120 = tpu.memref_slice %arg3[%mul3A_111, %dma_wait3A_119] : memref<8192x16xi32, #tpu.memory_space<hbm>> -> memref<16x16xi32, #tpu.memory_space<hbm>>
      %dma_wait3A_121 = arith.constant 0 : i32
      %dma_wait3A_122 = arith.constant 0 : i32
      %dma_wait3A_123 = tpu.memref_slice %run_scoped3A_8[%rem3A_109, %dma_wait3A_121, %dma_wait3A_122] : memref<2x16x16xi32, #tpu.memory_space<vmem>> -> memref<1x16x16xi32, #tpu.memory_space<vmem>>
      %dma_wait3A_124 = tpu.memref_squeeze %dma_wait3A_123 : memref<1x16x16xi32, #tpu.memory_space<vmem>> -> memref<16x16xi32, #tpu.memory_space<vmem>>
      tpu.wait_dma2 semaphore(%dma_wait3A_118 : memref<!tpu.dma_semaphore, #tpu.memory_space<semaphore_mem>>) src(%dma_wait3A_124 : memref<16x16xi32, #tpu.memory_space<vmem>>) dst(%dma_wait3A_120 : memref<16x16xi32, #tpu.memory_space<hbm>>)
      %rem3A_125 = arith.constant 2 : i32
      %rem3A_126 = arith.remui %scan3A_71#5, %rem3A_125 : i32
      %mul3A_127 = arith.constant 16 : i32
      %mul3A_128 = arith.muli %mul3A_127, %add3A_80 : i32
      %dma_wait3A_129 = arith.constant 0 : i32
      %dma_wait3A_130 = arith.constant 0 : i32
      %dma_wait3A_131 = tpu.memref_slice %run_scoped3A_10[%rem3A_126, %dma_wait3A_129, %dma_wait3A_130] : memref<2x16x16xf32, #tpu.memory_space<vmem>> -> memref<1x16x16xf32, #tpu.memory_space<vmem>>
      %dma_wait3A_132 = tpu.memref_squeeze %dma_wait3A_131 : memref<1x16x16xf32, #tpu.memory_space<vmem>> -> memref<16x16xf32, #tpu.memory_space<vmem>>
      %dma_wait3A_133 = arith.constant 0 : i32
      %dma_wait3A_134 = tpu.memref_slice %arg4[%mul3A_128, %dma_wait3A_133] : memref<8192x16xf32, #tpu.memory_space<hbm>> -> memref<16x16xf32, #tpu.memory_space<hbm>>
      %dma_wait3A_135 = tpu.memref_slice %run_scoped3A_11[%rem3A_126] : memref<2x!tpu.dma_semaphore, #tpu.memory_space<semaphore_mem>> -> memref<1x!tpu.dma_semaphore, #tpu.memory_space<semaphore_mem>>
      %dma_wait3A_136 = tpu.memref_squeeze %dma_wait3A_135 : memref<1x!tpu.dma_semaphore, #tpu.memory_space<semaphore_mem>> -> memref<!tpu.dma_semaphore, #tpu.memory_space<semaphore_mem>>
      %dma_wait3A_137 = arith.constant 0 : i32
      %dma_wait3A_138 = tpu.memref_slice %arg4[%mul3A_128, %dma_wait3A_137] : memref<8192x16xf32, #tpu.memory_space<hbm>> -> memref<16x16xf32, #tpu.memory_space<hbm>>
      %dma_wait3A_139 = arith.constant 0 : i32
      %dma_wait3A_140 = arith.constant 0 : i32
      %dma_wait3A_141 = tpu.memref_slice %run_scoped3A_10[%rem3A_126, %dma_wait3A_139, %dma_wait3A_140] : memref<2x16x16xf32, #tpu.memory_space<vmem>> -> memref<1x16x16xf32, #tpu.memory_space<vmem>>
      %dma_wait3A_142 = tpu.memref_squeeze %dma_wait3A_141 : memref<1x16x16xf32, #tpu.memory_space<vmem>> -> memref<16x16xf32, #tpu.memory_space<vmem>>
      tpu.wait_dma2 semaphore(%dma_wait3A_136 : memref<!tpu.dma_semaphore, #tpu.memory_space<semaphore_mem>>) src(%dma_wait3A_142 : memref<16x16xf32, #tpu.memory_space<vmem>>) dst(%dma_wait3A_138 : memref<16x16xf32, #tpu.memory_space<hbm>>)
      "tpu.trace_stop"() : () -> ()
      tpu.yield
    }) : () -> ()
    return
  }
}

module attributes {stable_mosaic.version = 14 : i64} {
  func.func @_logits_kernel(%arg0: i32, %arg1: memref<1024x2048xf32, #tpu.memory_space<vmem>>, %arg2: memref<64x2048xf32, #tpu.memory_space<vmem>>, %arg3: memref<1x64xf32, #tpu.memory_space<vmem>>, %arg4: memref<1024x64xf32, #tpu.memory_space<vmem>>) attributes {dimension_semantics = [#tpu.dimension_semantics<arbitrary>], iteration_bounds = array<i64: 8>, scalar_prefetch = 0 : i64, scratch_operands = 0 : i64, tpu.core_type = #tpu.core_type<tc>, window_params = [{transform_indices = @transform_0, window_bounds = array<i64: 1024, 2048>}, {pipeline_mode = #tpu.pipeline_mode<synchronous>, transform_indices = @transform_1, window_bounds = array<i64: 64, 2048>}, {pipeline_mode = #tpu.pipeline_mode<synchronous>, transform_indices = @transform_2, window_bounds = array<i64: 1, 64>}, {transform_indices = @transform_3, window_bounds = array<i64: 1024, 64>}]} {
    %get3A = arith.constant 0 : index
    %get3A_0 = arith.constant 0 : index
    %get3A_1 = vector.load %arg1[%get3A, %get3A_0] : memref<1024x2048xf32, #tpu.memory_space<vmem>>, vector<1024x2048xf32>
    %get3A_2 = arith.constant 0 : index
    %get3A_3 = arith.constant 0 : index
    %get3A_4 = vector.load %arg2[%get3A_2, %get3A_3] : memref<64x2048xf32, #tpu.memory_space<vmem>>, vector<64x2048xf32>
    %dot_general3A = arith.constant dense<0.000000e+00> : vector<1024x64xf32>
    %dot_general3A_5 = tpu.matmul %get3A_1, %get3A_4, %dot_general3A {dimension_numbers = #tpu.dot_dimension_numbers<[1], [1], [0], [0], [0, 0, 1, 0], [], []>, transpose_lhs_hint = false} : vector<1024x2048xf32>, vector<64x2048xf32>, vector<1024x64xf32> -> vector<1024x64xf32>
    %get3A_6 = arith.constant 0 : index
    %get3A_7 = arith.constant 0 : index
    %get3A_8 = vector.load %arg3[%get3A_6, %get3A_7] : memref<1x64xf32, #tpu.memory_space<vmem>>, vector<1x64xf32>
    %add3A = vector.broadcast %get3A_8 : vector<1x64xf32> to vector<1024x64xf32>
    %add3A_9 = arith.addf %dot_general3A_5, %add3A : vector<1024x64xf32>
    %swap3A = arith.constant 0 : index
    %swap3A_10 = arith.constant 0 : index
    %swap3A_11 = vector.load %arg4[%swap3A, %swap3A_10] : memref<1024x64xf32, #tpu.memory_space<vmem>>, vector<1024x64xf32>
    tpu.vector_store %arg4[%swap3A, %swap3A_10], %add3A_9 {strides = array<i32>} : memref<1024x64xf32, #tpu.memory_space<vmem>>, vector<1024x64xf32>,
    return
  }
  func.func @transform_0(%arg0: i32) -> (i32, i32) {
    %c0_i32 = arith.constant 0 : i32
    %c0_i32_0 = arith.constant 0 : i32
    return %arg0, %c0_i32 : i32, i32
  }
  func.func @transform_1(%arg0: i32) -> (i32, i32) {
    %c0_i32 = arith.constant 0 : i32
    %c0_i32_0 = arith.constant 0 : i32
    %c0_i32_1 = arith.constant 0 : i32
    return %c0_i32, %c0_i32_0 : i32, i32
  }
  func.func @transform_2(%arg0: i32) -> (i32, i32) {
    %c0_i32 = arith.constant 0 : i32
    %c0_i32_0 = arith.constant 0 : i32
    %c0_i32_1 = arith.constant 0 : i32
    return %c0_i32, %c0_i32_0 : i32, i32
  }
  func.func @transform_3(%arg0: i32) -> (i32, i32) {
    %c0_i32 = arith.constant 0 : i32
    %c0_i32_0 = arith.constant 0 : i32
    return %arg0, %c0_i32 : i32, i32
  }
}

</mosaic_0001>

<sc_bundles>
// kernel: kernel.4.cloned.1.call-start
scs
__scs_entry_jumppad:
0x0: {  	(pc) =	sbr.rel $0x88, $3  }
0x1: {  	(tag) =	ssettag $0x0;
	lr =	simm.s32 $0x1  }
0x2: {  	[smem:$0x3F9E] =	sst lr;
	_ =	strace $0xD0000000  }
0x3: {  	_ = 	snop  }
0x4: {  	_ = 	snop  }
0x5: {  	_ = 	snop  }
0x6: {  	_ = 	snop  }
0x7: {  	_ = 	snop  }
__scs_overlays_trampoline_lowered:
0x8: {  	[smem:$0x3FAD] =	sst s0  }
0x9: {  	[smem:$0x3FAE] =	sst s1  }
0xa: {  	[smem:$0x3FAF] =	sst s2  }
0xb: {  	[smem:$0x3FB0] =	sst s3  }
0xc: {  	[smem:$0x3FB1] =	sst s4  }
0xd: {  	[smem:$0x3FB2] =	sst s5  }
0xe: {  	[smem:$0x3FB3] =	sst s6  }
0xf: {  	[smem:$0x3FB4] =	sst s7  }
0x10: {  	[smem:$0x3FB5] =	sst s8  }
0x11: {  	[smem:$0x3FB6] =	sst s9;
	s0 =	simm.s32 @!p0 $0x0  }
0x12: {  	s1 =	sld [smem:$0x3F9C];
	s0 =	simm.s32 @p0 $0x1  }
0x13: {  	[smem:$0x3FB7] =	sst s0;
	s0 =	simm.s32 @!p1 $0x0  }
0x14: {  	s2 =	sld [smem:$0x3F9B];
	s0 =	simm.s32 @p1 $0x1  }
0x15: {  	[smem:$0x3FB8] =	sst s0;
	s0 =	simm.s32 @!p2 $0x0  }
0x16: {  	s3 =	sld [smem:$0x3FDB];
	s0 =	simm.s32 @p2 $0x1  }
0x17: {  	s4 =	simm.s32 $0x1BF5;
	[smem:$0x3FBA] =	sst s0  }
0x18: {  	s0 =	sld [smem:$0x3F9D];
	_ =	swait.ge [sflag:s4], $0x0  }
0x19: {  	s7 =	sld [smem:$0x3F9E]  }
0x1a: {  	s8 =	sadd.s32 $0xFFFFE003, lr  }
0x1b: {  	s9 =	sadd.s32 $0xFFFFFEF7, lr;
	s5 =	simm.s32 $0xFFFFFFFF;
	p2 =	slt.u32 s8, $0xFFFFF086  }
0x1c: {  	p1 =	slt.u32 s9, $0xF7A;
	s5 =	simm.s32 @!p2 $0x0  }
0x1d: {  	s5 =	simm.s32 @p1 $0x1;
	p0 =	seq.s32 s7, s2  }
0x1e: {  	s7 =	smul.u32 @!p0 $0xF7A, s2;
	p2 =	seq.s32 @!p0 s5, $0x0  }
0x1f: {  	s9 =	smul.u32 $0xF7A, s1;
	s8 =	simm.s32 @!p0 $0x1BF5;
	p2 =	por !p2, p0  }
0x20: {  	[sflag:s8] =	ssyncset.s32 @!p0 $0xFFFFF086;
	s6 =	sadd.s32 @!p0 s3, s7;
	s7 =	simm.s32 @!p0 $0x108  }
0x21: {  	s3 =	sadd.s32 s3, s9;
	s6 =	sadd.s32 @!p0 $0x88, s6;
	s7 =	simm.s32 @p2 $0x1082  }
0x22: {  	[simem:s7], [sflag:s8] =	dma.local @!p0 [hbm:s6], $0xF7A  }
0x23: {  	s9 =	sor.u32 $0xD0000000, s2;
	s6 =	simm.s32 $0x108;
	_ =	swait.ge @!p0 [sflag:s8], $0x0  }
0x24: {  	s3 =	sadd.s32 $0x88, s3;
	s6 =	simm.s32 @!p1 $0x1082;
	[sflag:s4] =	ssyncset.s32 $0xFFFFF086  }
0x25: {  	[simem:s6], [sflag:s4] =	dma.local [hbm:s3], $0xF7A  }
0x26: {  	[smem:$0x3F9E] =	sst s1;
	(tag) =	ssettag s2;
	_ =	strace s9  }
0x27: {  	s1 =	sld [smem:$0x3FAE]  }
0x28: {  	s2 =	sld [smem:$0x3FAF]  }
0x29: {  	s4 =	sld [smem:$0x3FB1]  }
0x2a: {  	p0 =	seq.s32 s5, $0x0;
	s5 =	sld [smem:$0x3FB2]  }
0x2b: {  	s6 =	sld [smem:$0x3FB3]  }
0x2c: {  	s7 =	sld [smem:$0x3FB4]  }
0x2d: {  	s3 =	simm.s32 $0x108;
	s8 =	sld [smem:$0x3FB5]  }
0x2e: {  	s3 =	simm.s32 @!p0 $0x1082;
	s9 =	sld [smem:$0x3FB6]  }
0x2f: {  	lr =	sadd.s32 s0, s3;
	s0 =	sld [smem:$0x3FAD]  }
0x30: {  	s3 =	sld [smem:$0x3FB0]  }
0x31: {  	[smem:$0x3FB9] =	sst s10  }
0x32: {  	s10 =	sld [smem:$0x3FB7];
	_ =	sdelay $0x3  }
0x33: {  	p0 =	seq.s32 s10, $0x1;
	s10 =	sld [smem:$0x3FB9];
	_ =	sdelay $0x3  }
0x34: {  	[smem:$0x3FB9] =	sst s10  }
0x35: {  	s10 =	sld [smem:$0x3FB8];
	_ =	sdelay $0x3  }
0x36: {  	p1 =	seq.s32 s10, $0x1;
	s10 =	sld [smem:$0x3FB9];
	_ =	sdelay $0x3  }
0x37: {  	[smem:$0x3FB9] =	sst s10  }
0x38: {  	s10 =	sld [smem:$0x3FBA]  }
0x39: {  	_ = 	snop;
	(pc) =	sbr.ind lr, $3  }
0x3a: {  	_ = 	snop  }
0x3b: {  	_ = 	snop  }
0x3c: {  	p2 =	seq.s32 s10, $0x1;
	s10 =	sld [smem:$0x3FB9]  }
0x3d: {  	_ =	shalt  }
0x3e: {  	_ =	shalt  }
0x3f: {  	_ =	shalt  }
0x40: {  	_ =	shalt  }
0x41: {  	_ =	shalt  }
0x42: {  	_ =	shalt  }
0x43: {  	_ =	shalt  }
0x44: {  	_ =	shalt  }
0x45: {  	_ =	shalt  }
0x46: {  	_ =	shalt  }
0x47: {  	_ =	shalt  }
0x48: {  	_ =	shalt  }
0x49: {  	_ =	shalt  }
0x4a: {  	_ =	shalt  }
0x4b: {  	_ =	shalt  }
0x4c: {  	_ =	shalt  }
0x4d: {  	_ =	shalt  }
0x4e: {  	_ =	shalt  }
0x4f: {  	_ =	shalt  }
0x50: {  	_ =	shalt  }
0x51: {  	_ =	shalt  }
0x52: {  	_ =	shalt  }
0x53: {  	_ =	shalt  }
0x54: {  	_ =	shalt  }
0x55: {  	_ =	shalt  }
0x56: {  	_ =	shalt  }
0x57: {  	_ =	shalt  }
0x58: {  	_ =	shalt  }
0x59: {  	_ =	shalt  }
0x5a: {  	_ =	shalt  }
0x5b: {  	_ =	shalt  }
0x5c: {  	_ =	shalt  }
0x5d: {  	_ =	shalt  }
0x5e: {  	_ =	shalt  }
0x5f: {  	_ =	shalt  }
0x60: {  	_ =	shalt  }
0x61: {  	_ =	shalt  }
0x62: {  	_ =	shalt  }
0x63: {  	_ =	shalt  }
0x64: {  	_ =	shalt  }
0x65: {  	_ =	shalt  }
0x66: {  	_ =	shalt  }
0x67: {  	_ =	shalt  }
0x68: {  	_ =	shalt  }
0x69: {  	_ =	shalt  }
0x6a: {  	_ =	shalt  }
0x6b: {  	_ =	shalt  }
0x6c: {  	_ =	shalt  }
0x6d: {  	_ =	shalt  }
0x6e: {  	_ =	shalt  }
0x6f: {  	_ =	shalt  }
0x70: {  	_ =	shalt  }
0x71: {  	_ =	shalt  }
0x72: {  	_ =	shalt  }
0x73: {  	_ =	shalt  }
0x74: {  	_ =	shalt  }
0x75: {  	_ =	shalt  }
0x76: {  	_ =	shalt  }
0x77: {  	_ =	shalt  }
0x78: {  	_ =	shalt  }
0x79: {  	_ =	shalt  }
0x7a: {  	_ =	shalt  }
0x7b: {  	_ =	shalt  }
0x7c: {  	_ =	shalt  }
0x7d: {  	_ =	shalt  }
0x7e: {  	_ =	shalt  }
0x7f: {  	_ =	shalt  }
0x80: {  	_ =	shalt  }
0x81: {  	_ =	shalt  }
0x82: {  	_ =	shalt  }
0x83: {  	_ =	shalt  }
0x84: {  	_ =	shalt  }
0x85: {  	_ =	shalt  }
0x86: {  	_ =	shalt  }
0x87: {  	_ =	shalt  }
.Lfunc_end0:
.L_simem_size_0:
called_computation_lowered:
.L_overlay_start_0:
0x88: {  	s2 =	sld [smem:$0x3FD9]  }
0x89: {  	s3 =	sld [smem:$0x3FFE];
	_ =	sdelay $0x1  }
0x8a: {  	s1 =	srdreg.scid  }
0x8b: {  	s0 =	sand.u32 $0x1, s1  }
0x8c: {  	s16 =	sshll.u32 s0, $0xA;
	s2 =	sadd.s32 s3, s2  }
0x8d: {  	s2 =	sadd.s32 s2, s16  }
0x8e: {  	[smem:$0x3FC5] =	sst s2  }
0x8f: {  	_ = 	snop  }
0x90: {  	(tm) =	ssettm $0x1  }
0x91: {  	s17 =	sld [smem:$0x3FFB];
	_ =	sdelay $0x3  }
0x92: {  	_ =	strace s17  }
0x93: {  	s2 =	sld [smem:$0x3FFC];
	_ =	sdelay $0x3  }
0x94: {  	_ =	strace s2  }
0x95: {  	s2 =	sld [smem:$0x3FFD];
	_ =	sdelay $0x3  }
0x96: {  	_ =	strace s2  }
0x97: {  	_ =	strace $0x8FFFFFFF  }
0x98: {  	s18 =	sld [smem:$0x3FDB];
	_ =	sdelay $0x1  }
0x99: {  	s19 =	simm.s32 $_scs_section_size  }
0x9a: {  	s4 =	simm.s32 $_size__tile_overlayer_lowered;
	s5 =	simm.s32 $_tile_overlayer_lowered  }
0x9b: {  	s22 =	simm.s32 $0x1BFF;
	s21 =	sshll.u32 s5, $0x1;
	s2 =	sadd.s32 s19, s18  }
0x9c: {  	s6 =	simm.s32 $0x0;
	s20 =	sshll.u32 s4, $0x1;
	s4 =	sadd.s32 s21, s2  }
0x9d: {  	[timem:s6], [sflag:s22] =	dma.local [hbm:s4], s20  }
0x9e: {  	_ =	swait.ge [sflag:s22], s20  }
0x9f: {  	s3 =	ssub.s32 $0x0, s20;
	[sflag:s22] =	ssyncset.done $0x0  }
0xa0: {  	[sflag:s22] =	ssyncadd.s32 s3;
	_ =	sdelay $0x1  }
0xa1: {  	s23 =	simm.s32 $0x1B8B  }
0xa2: {  	_ =	swait.ge [sflag:s23], $0x1  }
0xa3: {  	[sflag:s23] =	ssyncset.done $0x0  }
0xa4: {  	s25 =	simm.s32 $0x1B8E;
	s24 =	sld [smem:$0x3FFE];
	[sflag:s23] =	ssyncadd.s32 $0xFFFFFFFF  }
0xa5: {  	s26 =	simm.s32 $execute0_lowered;
	[smem:$0x3FD2] =	sst s25  }
0xa6: {  	s4 =	sshll.u32 s26, $0x1;
	_ =	strace $0x80000046;
	[dreg:$0x1] =	wrdreg $0xFFFFFFFF  }
0xa7: {  	s28 =	simm.s32 $_size_execute0_lowered;
	s2 =	sadd.s32 s2, s4;
	[dreg:$0x0] =	wrdreg $0x0  }
0xa8: {  	s4 =	sshll.u32 s28, $0x1;
	[dreg:$0x2] =	wrdreg s2  }
0xa9: {  	[dreg:$0x3] =	wrdreg s4  }
0xaa: {  	[dreg:$0x4] =	wrdreg $0xC0  }
0xab: {  	_ =	task [dreg:s6], $0x5FFFF  }
0xac: {  	[dreg:$0x1] =	wrdreg $0xFFFFFFFF  }
0xad: {  	[dreg:$0x0] =	wrdreg $0x60  }
0xae: {  	[dreg:$0x2] =	wrdreg s24  }
0xaf: {  	[dreg:$0x3] =	wrdreg $0x9  }
0xb0: {  	_ =	task.clear_ibuf [dreg:s6], $0x4FFFF;
	_ =	strace $0x90000046  }
0xb1: {  	s29 =	simm.s32 $0x9;
	_ =	strace $0x80000051  }
0xb2: {  	_ =	swait.ge [sflag:s29], $0x1  }
0xb3: {  	[sflag:s29] =	ssyncadd.s32 $0xFFFFFFFF  }
0xb4: {  	_ =	strace $0x90000051  }
0xb5: {  	_ =	sfence  }
0xb6: {  	s30 =	sld [smem:$0x0];
	_ =	sdelay $0x2  }
0xb7: {  	s31 =	sshll.u32 s1, $0xD;
	s1 =	sshrl.u32 s1, $0x2  }
0xb8: {  	s3 =	sand.u32 $0x4000, s31;
	s1 =	sadd.s32 s1, s30  }
0xb9: {  	s0 =	sor.u32 s3, s0;
	s1 =	sshll.u32 s1, $0x11  }
0xba: {  	s0 =	sor.u32 s1, s0  }
0xbb: {  	s0 =	sadd.s32 $0x8F2B, s0  }
0xbc: {  	[sflag:s0] =	ssyncadd.remote.s32 $0x1  }
0xbd: {  	_ =	sfence.sel $0xFFFF  }
0xbe: {  	[dreg:$0x0] =	wrdreg $0xFFFFFFFF;
	(pc) =	sbr.abs _section_cstart, $3  }
0xbf: {  	[dreg:$0x1] =	wrdreg $0xFFFFFFFF  }
0xc0: {  	_ =	task.clear_ibuf [dreg:s6], $0x2FFFF;
	_ =	strace $0x9FFFFFFF  }
0xc1: {  	(tm) =	ssettm $0x7FFFFFFF  }
tec
execute0_lowered:
.L_overlay_start_1:
0x0: {  	(tag) =	ssettag $0x1  }
0x1: {  	s5 =	rddreg [dreg:$0x0]  }
0x2: {  	s0 =	rddreg [dreg:$0x1];
	s1 =	simm.s32 $0x0  }
0x3: {  	s2 =	srdreg.scid;
	[smem:$0x7FF] =	sst s1;
	s3 =	sadd.s32 $0x1000, s5  }
0x4: {  	s4 =	sadd.s32 $0x21000, s5;
	s6 =	sand.u32 $0x1, s2;
	s2 =	stileid.u32  }
0x5: {  	s5 =	sadd.s32 $0x41000, s5;
	s7 =	ssub.s32 $0x2, s6;
	s6 =	sshll.u32 s6, $0x4  }
0x6: {  	_ =	strace $0x80000047;
	s8 =	sshrl.u32 s7, $0x1;
	s9 =	sor.u32 s2, s6  }
0x7: {  	v0 =	vlaneseq.u32;
	vm0 =	vmmov $0xff;
	s8 =	ssub.s32 s7, s8;
	s6 =	sshll.u32 s9, $0x4;
	s31 =	sshll.u32 s9, $0xC  }
0x8: {  	v1 =	vor.u32 $0x10, v0;
	v2 =	vor.u32 $0x20, v0;
	v3 =	vor.u32 $0x30, v0;
	s9 =	simm.s32 $0x0;
	s7 =	sadd.s32 s3, s31;
	s8 =	smax.u32 s8, $0x1  }
.LBB2_1:
0x9: {  	_ =	strace $0x80000048  }
0xa: {  	s11 =	simm.s32 $0x0;
	s10 =	simm.s32 $0x0;
	s12 =	simm.s32 $0x0  }
0xb: {  	s24 =	simm.s32 $0x0;
	s13 =	simm.s32 $0x0;
	s14 =	simm.s32 $0x0  }
0xc: {  	[tilespmem:s1], [sflag:$0x1] =	stream.linear.gather [hbm4b:s7+s1], $0x800, $0x200038;
	[tilespmem:$0x3000] =	vst v63  }
0xd: {  	s15 =	simm.s32 $0x1;
	s16 =	simm.s32 $0x0;
	_ =	strace $0x90000048  }
.LBB2_2:
0xe: {  	s18 =	smov.u32 s11;
	s11 =	sadd.s32 $0x1, s11  }
0xf: {  	p0 =	seq.s32 s11, $0x10  }
0x10: {  	s11 =	simm.s32 @p0 $0x0  }
0x11: {  	p1 =	sne.s32 s16, $0xF;
	p0 =	sne.s32 s18, s11  }
0x12: {  	p0 =	por !p1, !p0  }
0x13: {  	p0 =	por !p0, !p0  }
0x14: {  	s17 =	sadd.s32 @p0 s6, s11  }
0x15: {  	_ =	strace @p0 $0x80000049;
	s17 =	sshll.u32 @p0 s17, $0x8  }
0x16: {  	s19 =	sand.u32 @p0 $0x1, s15;
	s21 =	simm.s32 @p0 $0x0;
	s17 =	sand.u32 @p0 $0x1FFFFF00, s17  }
0x17: {  	s20 =	sshll.u32 @p0 s19, $0xB;
	s19 =	sadd.s32 @p0 $0x1, s19;
	s17 =	sadd.s32 @p0 s3, s17  }
0x18: {  	[tilespmem:s20], [sflag:s19] =	stream.linear.gather @p0 [hbm4b:s17+s21], $0x800, $0x200038;
	[tilespmem:$0x3000] =	vst v63  }
0x19: {  	s28 =	sand.u32 $0x1, s14;
	s29 =	sshll.u32 s14, $0xB;
	_ =	strace @p0 $0x90000049  }
0x1a: {  	s17 =	sadd.s32 $0x1, s28;
	s19 =	sand.u32 $0x800, s29;
	_ =	strace $0x8000004A  }
0x1b: {  	v6 =	vmov s19;
	_ =	swait.ge [sflag:s17], $0x800  }
0x1c: {  	[sflag:s17] =	ssyncset.done $0x0  }
0x1d: {  	[sflag:s17] =	ssyncadd.s32 $0xFFFFF800  }
0x1e: {  	s23 =	simm.s32 $0x0;
	_ =	strace $0x9000004A  }
0x1f: {  	s20 =	sand.u32 $0x1, s13;
	s19 =	sand.u32 $0x1, s12;
	_ =	strace $0x8000004B  }
0x20: {  	s30 =	sshll.u32 s20, $0xB;
	s31 =	sshll.u32 s19, $0xB;
	v7 =	vld.idx.msk [tilespmem:v6+s23+$0x30 ss:$0x1], $0xffff  }
0x21: {  	s22 =	sor.u32 $0x1000, s30;
	s21 =	sor.u32 $0x2000, s31;
	v8 =	vld.idx.msk [tilespmem:v6+s23+$0x20 ss:$0x1], $0xffff  }
0x22: {  	s25 =	simm.s32 $0x200;
	v5 =	vmov s22;
	v4 =	vmov s21;
	s17 =	smov.u32 s24;
	s24 =	sadd.s32 s6, s18;
	v9 =	vld.idx.msk [tilespmem:v6+s23+$0x10 ss:$0x1], $0xffff  }
.LBB2_3:
0x23: {  	p1 =	sne.s32 s25, $0x1E00;
	v10 =	vld.idx.msk [tilespmem:v6+s23+$0x0 ss:$0x1], $0xffff;
	_ =	sdelay $0x2  }
0x24: {  	(xrf1) =	vsort.dscd.msk.f32 $0xffff, v7, v3  }
0x25: {  	(xrf1) =	vsort.ascd.msk.f32 $0xffff, v8, v2  }
0x26: {  	(xrf1) =	vsort.dscd.msk.f32 $0xffff, v9, v1  }
0x27: {  	(xrf1) =	vsort.ascd.msk.f32 $0xffff, v10, v0;
	_ =	sdelay $0xa  }
0x28: {  	v7, v8, _ =	vpop (xrf1)  }
0x29: {  	v9, v10, _ =	vpop (xrf1)  }
0x2a: {  	v11, v12, _ =	vpop (xrf1)  }
0x2b: {  	vm1 =	vge.f32 v9, v7;
	v13, v14, _ =	vpop (xrf1)  }
0x2c: {  	v7 =	vsel vm1, v9, v7;
	v8 =	vsel vm1, v10, v8;
	vm2 =	vge.f32 v13, v11  }
0x2d: {  	v9 =	vsel vm2, v13, v11;
	v10 =	vsel vm2, v14, v12;
	(xrf1) =	vsort.dscd.msk.f32 $0xffff, v7, v8  }
0x2e: {  	(xrf1) =	vsort.ascd.msk.f32 $0xffff, v9, v10;
	_ =	sdelay $0xc  }
0x2f: {  	v7, v8, _ =	vpop (xrf1)  }
0x30: {  	v9, v10, _ =	vpop (xrf1)  }
0x31: {  	vm1 =	vge.f32 v9, v7  }
0x32: {  	v7 =	vsel vm1, v9, v7;
	v8 =	vsel vm1, v10, v8  }
0x33: {  	(xrf1) =	vsort.dscd.msk.f32 $0xffff, v7, v8;
	_ =	sdelay $0xd  }
0x34: {  	v7, v8, _ =	vpop (xrf1)  }
0x35: {  	[tilespmem:v5+s23+$0x0 ss:$0x1] =	vst.idx.msk $0xffff, v8;
	(xrf0) =	vmax.scan.msk.f32 $0xffff, v7;
	_ =	sdelay $0x5  }
0x36: {  	v8, _, _ =	vpop (xrf0)  }
0x37: {  	v8 =	vbroadcast v8, $0xF;
	_ =	sdelay $0x1  }
0x38: {  	v7 =	vsub.f32 v7, v8;
	_ =	sdelay $0x1  }
0x39: {  	v7 =	vmul.f32 $1.442695020e+00, v7;
	_ =	sdelay $0x1  }
0x3a: {  	(erf) = vpow2.f32 v7;
	_ =	sdelay $0x8  }
0x3b: {  	v7 =	vpop (erf)  }
0x3c: {  	v7 =	vnsel vm0, $0x0, v7  }
0x3d: {  	(xrf2) =	vadd.scan.msk.f32 $0xffff, v7;
	_ =	sdelay $0x9  }
0x3e: {  	v8, _, _ =	vpop (xrf2)  }
0x3f: {  	v8 =	vbroadcast v8, $0xF;
	_ =	sdelay $0x1  }
0x40: {  	(erf) = vrcp.f32 v8;
	_ =	sdelay $0x8  }
0x41: {  	v8 =	vpop (erf)  }
0x42: {  	v7 =	vmul.f32 v8, v7  }
.Ltmp0:
0x43: {  	(pc) =	sbr.rel @p1 .LBB2_3-.Ltmp0, $4  }
0x44: {  	[tilespmem:v4+s23+$0x0 ss:$0x1] =	vst.idx.msk $0xffff, v7;
	s23 =	sshra.s32 s25, $0x2  }
0x45: {  	v7 =	vld.idx.msk [tilespmem:v6+s23+$0x30 ss:$0x1], $0xffff  }
0x46: {  	v8 =	vld.idx.msk [tilespmem:v6+s23+$0x20 ss:$0x1], $0xffff  }
0x47: {  	s25 =	sadd.s32 $0x200, s25;
	v9 =	vld.idx.msk [tilespmem:v6+s23+$0x10 ss:$0x1], $0xffff  }
0x48: {  	_ =	sdelay $0x3  }
0x49: {  	v6 =	vld.idx.msk [tilespmem:v6+s23+$0x0 ss:$0x1], $0xffff;
	_ =	sdelay $0x1  }
0x4a: {  	(xrf1) =	vsort.dscd.msk.f32 $0xffff, v7, v3  }
0x4b: {  	(xrf1) =	vsort.ascd.msk.f32 $0xffff, v8, v2  }
0x4c: {  	(xrf1) =	vsort.dscd.msk.f32 $0xffff, v9, v1  }
0x4d: {  	(xrf1) =	vsort.ascd.msk.f32 $0xffff, v6, v0;
	_ =	sdelay $0xa  }
0x4e: {  	v58, v7, _ =	vpop (xrf1)  }
0x4f: {  	v8, v59, _ =	vpop (xrf1)  }
0x50: {  	v10, v11, _ =	vpop (xrf1)  }
0x51: {  	vm1 =	vge.f32 v8, v58;
	v12, v13, _ =	vpop (xrf1)  }
0x52: {  	v6 =	vsel vm1, v8, v58;
	v7 =	vsel vm1, v59, v7;
	vm2 =	vge.f32 v12, v10  }
0x53: {  	(xrf1) =	vsort.dscd.msk.f32 $0xffff, v6, v7;
	v60 =	vsel vm2, v12, v10;
	v61 =	vsel vm2, v13, v11  }
0x54: {  	(xrf1) =	vsort.ascd.msk.f32 $0xffff, v60, v61;
	_ =	sdelay $0xc  }
0x55: {  	v6, v7, _ =	vpop (xrf1)  }
0x56: {  	v8, v9, _ =	vpop (xrf1)  }
0x57: {  	vm1 =	vge.f32 v8, v6  }
0x58: {  	v6 =	vsel vm1, v8, v6;
	v7 =	vsel vm1, v9, v7  }
0x59: {  	(xrf1) =	vsort.dscd.msk.f32 $0xffff, v6, v7;
	_ =	sdelay $0xd  }
0x5a: {  	v6, v7, _ =	vpop (xrf1)  }
0x5b: {  	(xrf0) =	vmax.scan.msk.f32 $0xffff, v6;
	_ =	sdelay $0x5  }
0x5c: {  	v62, _, _ =	vpop (xrf0)  }
0x5d: {  	v8 =	vbroadcast v62, $0xF;
	_ =	sdelay $0x1  }
0x5e: {  	v6 =	vsub.f32 v6, v8;
	_ =	sdelay $0x1  }
0x5f: {  	v6 =	vmul.f32 $1.442695020e+00, v6;
	_ =	sdelay $0x1  }
0x60: {  	(erf) = vpow2.f32 v6;
	_ =	sdelay $0x8  }
0x61: {  	v6 =	vpop (erf)  }
0x62: {  	v6 =	vnsel vm0, $0x0, v6  }
0x63: {  	(xrf2) =	vadd.scan.msk.f32 $0xffff, v6;
	_ =	sdelay $0x9  }
0x64: {  	v63, _, _ =	vpop (xrf2)  }
0x65: {  	v8 =	vbroadcast v63, $0xF;
	_ =	sdelay $0x1  }
0x66: {  	(erf) = vrcp.f32 v8;
	_ =	sdelay $0x8  }
0x67: {  	p1 =	seq.s32 s16, $0xF;
	v8 =	vpop (erf)  }
0x68: {  	p2 =	seq.s32 @!p1 s18, s11;
	v6 =	vmul.f32 v8, v6  }
0x69: {  	s18 =	simm.s32 $0x0;
	p1 =	por p1, !p2;
	[tilespmem:v5+s23+$0x0 ss:$0x1] =	vst.idx.msk $0xffff, v7  }
0x6a: {  	s18 =	sshll.u32 @p1 s24, $0x8;
	[tilespmem:v4+s23+$0x0 ss:$0x1] =	vst.idx.msk $0xffff, v6  }
0x6b: {  	s18 =	sand.u32 @p1 $0x1FFFFF00, s18;
	_ =	strace $0x9000004B  }
0x6c: {  	s20 =	sadd.s32 @p1 $0x3, s20;
	s23 =	sadd.s32 @p1 s4, s18;
	_ =	strace @p1 $0x8000004C  }
0x6d: {  	[hbm4b:s23+s1] =	stream.linear.scatter @p1 [tilespmem:s22], [sflag:s20], $0x800, $0x200038;
	[tilespmem:$0x3000] =	vst v63  }
0x6e: {  	s19 =	sadd.s32 @p1 $0x5, s19;
	_ =	strace @p1 $0x9000004C  }
0x6f: {  	s13 =	sadd.s32 @p1 $0x1, s13;
	s18 =	sadd.s32 @p1 s5, s18;
	_ =	strace @p1 $0x8000004D  }
0x70: {  	[hbm4b:s18+s1] =	stream.linear.scatter @p1 [tilespmem:s21], [sflag:s19], $0x800, $0x200038;
	[tilespmem:$0x3000] =	vst v63  }
0x71: {  	s18 =	simm.s32 @p1 $0x1;
	_ =	strace @p1 $0x9000004D;
	p1 =	seq.s32 s16, $0x0  }
0x72: {  	s19 =	sand.u32 @!p1 $0x1, s17  }
0x73: {  	_ =	strace @!p1 $0x8000004E;
	s19 =	sadd.s32 @!p1 $0x3, s19  }
0x74: {  	_ =	swait.ge @!p1 [sflag:s19], $0x800  }
0x75: {  	s20 =	simm.s32 $0x1;
	[sflag:s19] =	ssyncset.done @!p1 $0x0  }
0x76: {  	s20 =	simm.s32 @!p0 $0x0;
	[sflag:s19] =	ssyncadd.s32 @!p1 $0xFFFFF800  }
0x77: {  	s16 =	sadd.s32 $0x1, s16;
	s19 =	sand.u32 @!p1 $0x1, s10;
	_ =	strace @!p1 $0x9000004E  }
0x78: {  	p0 =	sne.s32 s16, $0x10;
	s19 =	sadd.s32 @!p1 $0x5, s19;
	_ =	strace @!p1 $0x8000004F  }
.Ltmp1:
0x79: {  	_ =	swait.ge @!p1 [sflag:s19], $0x800;
	(pc) =	sbr.rel @p0 .LBB2_2-.Ltmp1, $4  }
0x7a: {  	s15 =	sadd.s32 s20, s15;
	[sflag:s19] =	ssyncset.done @!p1 $0x0  }
0x7b: {  	s12 =	sadd.s32 s12, s18;
	[sflag:s19] =	ssyncadd.s32 @!p1 $0xFFFFF800;
	s19 =	simm.s32 @!p1 $0x1  }
0x7c: {  	s14 =	sadd.s32 s14, s18;
	s24 =	sadd.s32 @!p1 $0x1, s17;
	s19 =	simm.s32 @p1 $0x0  }
0x7d: {  	s24 =	smov.u32 @p1 s17;
	_ =	strace @!p1 $0x9000004F;
	s10 =	sadd.s32 s10, s19  }
0x7e: {  	s11 =	sand.u32 $0x1, s24  }
0x7f: {  	_ =	strace $0x80000050;
	s11 =	sadd.s32 $0x3, s11  }
0x80: {  	s9 =	sadd.s32 $0x1, s9;
	_ =	swait.ge [sflag:s11], $0x800  }
0x81: {  	s10 =	sand.u32 $0x1, s10;
	p0 =	sne.s32 s9, s8;
	[sflag:s11] =	ssyncset.done $0x0  }
.Ltmp2:
0x82: {  	s10 =	sadd.s32 $0x5, s10;
	[sflag:s11] =	ssyncadd.s32 $0xFFFFF800;
	(pc) =	sbr.rel @p0 .LBB2_1-.Ltmp2, $4  }
0x83: {  	_ =	swait.ge [sflag:s10], $0x800  }
0x84: {  	[sflag:s10] =	ssyncset.done $0x0  }
0x85: {  	[sflag:s10] =	ssyncadd.s32 $0xFFFFF800  }
0x86: {  	_ =	strace $0x90000050  }
0x87: {  	_ =	sfence.sel $0x180000  }
0x88: {  	[bflag:$0x0] =	sbarrier.arrive $0xFFFF  }
0x89: {  	p0 =	sne.s32 s2, $0x0;
	_ =	strace $0x90000047  }
0x8a: {  	s0 =	sadd.s32 @!p0 $0x100000, s0;
	[bflag:$0x2] =	sbarrier.arrive $0xFFFF  }
0x8b: {  	[sflag:s0] =	ssyncadd.tile.s32 @!p0 $0x1;
	_ =	shalt  }
.Lfunc_end2:
_tile_overlayer_lowered:
.L_overlay_start_2:
0x8c: {  	(tag) =	ssettag $0x2  }
0x8d: {  	s0 =	rddreg [dreg:$0x0];
	s2 =	stileid.u32  }
0x8e: {  	s1 =	rddreg [dreg:$0x1];
	p0 =	sne.s32 s2, $0x0  }
0x8f: {  	s3 =	rddreg [dreg:$0x2];
	[bflag:$0x3] =	sbarrier.arrive $0xFFFF;
	s2 =	simm.s32 @!p0 $0x1C01  }
0x90: {  	[timem:s3], [sflag:s2] =	dma.local @!p0 [hbm:s0], s1  }
0x91: {  	s0 =	simm.s32 @!p0 $0x1  }
0x92: {  	_ =	swait.ge @!p0 [sflag:s0], s1  }
0x93: {  	s1 =	ssub.s32 @!p0 $0x0, s1;
	[sflag:s0] =	ssyncset.done @!p0 $0x0  }
0x94: {  	[sflag:s0] =	ssyncadd.s32 @!p0 s1  }
0x95: {  	[bflag:$0x3] =	sbarrier.arrive $0xFFFF  }
0x96: {  	_ =	shalt  }

</sc_bundles>
